<compile_context>
chip_gen: v7x
topology: tpu7x:2x2x1
jax: 0.10.2.dev20260603
libtpu: 0.0.44.dev20260713+nightly
codegen_flags: <defaults>
</compile_context>

<pallas_src>
import functools

import numpy as np
import jax
import jax.numpy as jnp
from jax import lax
from jax.experimental import pallas as pl
from jax.experimental.pallas import tpu as pltpu
from jax.experimental.pallas import tpu_sc as plsc

N = 50000
E = 800000
NSC = 32
NREP = 8
LMAX = 2
DEMB = 16
XDIM = 64



def _build_consts():
    A0 = np.zeros((64, 64), np.float32)
    A1 = np.zeros((64, 64), np.float32)
    for i in range(32):
        A0[i, i] = 1.0
    for j in range(NREP):
        for k in range(LMAX):
            base = 32 + j * 4 + k * 2
            for l in range(2):
                A0[base + 0, base + l] = 1.0
                A1[base + 1, base + l] = 1.0
    Q0g = np.zeros((8, 64), np.float32)
    Q1g = np.zeros((8, 64), np.float32)
    Q0o = np.zeros((8, 64), np.float32)
    Q1o = np.zeros((8, 64), np.float32)
    for j in range(NREP):
        for k in range(LMAX):
            for l in range(2):
                lane = 32 + j * 4 + k * 2 + l
                Q0g[k * 4 + l * 2 + 0, lane] = 1.0
                Q1g[k * 4 + l * 2 + 1, lane] = 1.0
                Q0o[k * 4 + 0 + l, lane] = 1.0
                Q1o[k * 4 + 2 + l, lane] = 1.0
    m1 = np.zeros((1, 64), np.float32)
    m1[0, :32] = 1.0
    A0d = np.zeros((128, 128), np.float32)
    A1d = np.zeros((128, 128), np.float32)
    A0d[:64, :64] = A0
    A0d[64:, 64:] = A0
    A1d[:64, :64] = A1
    A1d[64:, 64:] = A1
    Q0gd = np.concatenate([Q0g, Q0g], axis=1)
    Q1gd = np.concatenate([Q1g, Q1g], axis=1)
    m1d = np.concatenate([m1, m1], axis=1)
    return (A0, A1, A0d, A1d, Q0gd, Q1gd, Q0o, Q1o, m1, m1d)


_CONSTS = _build_consts()


_BE = 4000


def _dense_body(grc_ref, r8_ref, de_ref,
                wq_ref, wk_ref, wv_ref, wd_ref,
                bq_ref, bk_ref, bv_ref, bd_ref,
                a0_ref, a1_ref, a0d_ref, a1d_ref, q0gd_ref, q1gd_ref,
                q0o_ref, q1o_ref, m1_ref, m1d_ref,
                evz_ref):
    dot = functools.partial(jnp.dot, preferred_element_type=jnp.float32)
    grc = grc_ref[...]
    r8 = r8_ref[...]
    m1 = m1_ref[...]
    a0 = a0_ref[...]
    a1 = a1_ref[...]
    be = grc.shape[0]

    def p0(x):
        return dot(x, a0)

    def p1(x):
        return dot(x, a1)

    g0d = dot(r8, q0gd_ref[...]) + m1d_ref[...]
    g1d = dot(r8, q1gd_ref[...])
    xboth = dot(grc, a0d_ref[...]) * g0d + dot(grc, a1d_ref[...]) * g1d
    q = dot(xboth, wq_ref[...]) + bq_ref[...]
    k = dot(xboth, wk_ref[...]) + bk_ref[...]
    v = dot(xboth, wv_ref[...]) + bv_ref[...]
    g = dot(de_ref[...], wd_ref[...]) + bd_ref[...]
    lo = jnp.sum(q * k * g, axis=1, keepdims=True) * 0.125
    e = jnp.exp(lo)
    h0 = dot(r8, q0o_ref[...]) + m1
    h1 = dot(r8, q1o_ref[...])
    vout = p0(v) * h0 + p1(v) * h1
    ev = e * vout
    evz_ref[...] = jnp.concatenate(
        [ev, jnp.broadcast_to(e, (be, 8)), jnp.zeros((be, 56), jnp.float32)],
        axis=1)


def _make_dense(e_total, be, interpret=False):
    nblk = e_total // be
    eb = lambda i: (i, 0)
    zb = lambda i: (0, 0)
    full = lambda shp: pl.BlockSpec(shp, zb)
    return pl.pallas_call(
        _dense_body,
        grid=(nblk,),
        in_specs=[
            pl.BlockSpec((be, 128), eb),
            pl.BlockSpec((be, 8), eb),
            pl.BlockSpec((be, 16), eb),
            full((128, 64)), full((128, 64)), full((128, 64)), full((16, 64)),
            full((1, 64)), full((1, 64)), full((1, 64)), full((1, 64)),
            full((64, 64)), full((64, 64)), full((128, 128)), full((128, 128)),
            full((8, 128)), full((8, 128)), full((8, 64)), full((8, 64)),
            full((1, 64)), full((1, 128)),
        ],
        out_specs=pl.BlockSpec((be, 128), eb),
        out_shape=jax.ShapeDtypeStruct((e_total, 128), jnp.float32),
        interpret=interpret,
    )


_dense = _make_dense(E, _BE)


_BN = 1000


def _div_body(a0_ref, a1_ref, d0_ref, d1_ref, ms_ref, mr_ref):
    d = (jnp.sum(d0_ref[...], axis=1, keepdims=True)
         + jnp.sum(d1_ref[...], axis=1, keepdims=True)) * 0.125
    inv = 1.0 / jnp.maximum(d, 1e-16)
    ms_ref[...] = a0_ref[...] * inv
    mr_ref[...] = a1_ref[...] * inv


def _make_div(n_total, bn, interpret=False):
    nb = lambda i: (i, 0)
    return pl.pallas_call(
        _div_body,
        grid=(n_total // bn,),
        in_specs=[
            pl.BlockSpec((bn, 32), nb),
            pl.BlockSpec((bn, 32), nb),
            pl.BlockSpec((bn, 8), nb),
            pl.BlockSpec((bn, 8), nb),
        ],
        out_specs=[
            pl.BlockSpec((bn, 32), nb),
            pl.BlockSpec((bn, 32), nb),
        ],
        out_shape=[
            jax.ShapeDtypeStruct((n_total, 32), jnp.float32),
            jax.ShapeDtypeStruct((n_total, 32), jnp.float32),
        ],
        interpret=interpret,
    )


_div = _make_div(N, _BN)


_NCR = 2
_NSB = 16
_NWK = _NCR * _NSB
_EPW = E // _NWK
_GCH = 128
_GNF = _EPW // _GCH
_GPR = (_GNF - 1) // 2
_GTL = _EPW - _GNF * _GCH


def _make_gather(mesh):
    @functools.partial(
        pl.kernel,
        out_type=jax.ShapeDtypeStruct((E, 128), jnp.float32),
        mesh=mesh,
        scratch_types=(
            [pltpu.VMEM((_GCH,), jnp.int32) for _ in range(4)]
            + [pltpu.VMEM((_GCH, 64), jnp.float32) for _ in range(4)]
            + [pltpu.VMEM((_GTL,), jnp.int32),
               pltpu.VMEM((_GTL, 64), jnp.float32)]
            + [pltpu.SemaphoreType.DMA for _ in range(4)]
        ),
        compiler_params=pltpu.CompilerParams(use_tc_tiling_on_sc=False),
    )
    def _gather(table, rowi, coli, out,
                i0, i1, i2, i3, b0, b1, b2, b3, it, bt, s0, s1, s2, s3):
        wid = lax.axis_index("s") * _NCR + lax.axis_index("c")
        w0 = wid * _EPW
        sets = ((i0, b0, s0), (i1, b1, s1), (i2, b2, s2), (i3, b3, s3))

        def pair(base0):
            work = []
            for ci, srci in enumerate((rowi, coli)):
                for half in range(2):
                    idx, buf, sem = sets[half * 2 + ci]
                    base = base0 + half * _GCH
                    work.append((idx, buf, sem, srci, ci * 64, base))
            dl = [pltpu.async_copy(srci.at[pl.ds(base, _GCH)], idx, sem)
                  for (idx, buf, sem, srci, lo, base) in work]
            gl = []
            for d, (idx, buf, sem, srci, lo, base) in zip(dl, work):
                d.wait()
                gl.append(pltpu.async_copy(table.at[idx], buf, sem))
            wl = []
            for g, (idx, buf, sem, srci, lo, base) in zip(gl, work):
                g.wait()
                wl.append(pltpu.async_copy(
                    buf, out.at[pl.ds(base, _GCH), pl.ds(lo, 64)], sem))
            for w in wl:
                w.wait()

        def body(i, carry):
            pair(w0 + (2 * i) * _GCH)
            return carry

        lax.fori_loop(0, _GPR, body, 0)

        lb = w0 + (2 * _GPR) * _GCH
        d0 = pltpu.async_copy(rowi.at[pl.ds(lb, _GCH)], i0, s0)
        d1 = pltpu.async_copy(coli.at[pl.ds(lb, _GCH)], i1, s1)
        d0.wait()
        g0 = pltpu.async_copy(table.at[i0], b0, s0)
        d1.wait()
        g1 = pltpu.async_copy(table.at[i1], b1, s1)
        g0.wait()
        wr = pltpu.async_copy(b0, out.at[pl.ds(lb, _GCH), pl.ds(0, 64)], s0)
        g1.wait()
        wc = pltpu.async_copy(b1, out.at[pl.ds(lb, _GCH), pl.ds(64, 64)], s1)
        wr.wait()
        wc.wait()

        tb = w0 + _GNF * _GCH
        for srci, lo in ((rowi, 0), (coli, 64)):
            pltpu.sync_copy(srci.at[pl.ds(tb, _GTL)], it)
            pltpu.async_copy(table.at[it], bt, s0).wait()
            pltpu.sync_copy(bt, out.at[pl.ds(tb, _GTL), pl.ds(lo, 64)])

    return _gather



_EPS = E // _NSB
_SCH = 64
_SNF = _EPS // _SCH
_SPR = (_SNF - 1) // 2
_STL = _EPS - _SNF * _SCH
_NPW = N // _NSB


def _make_scatter(mesh):
    @functools.partial(
        pl.kernel,
        out_type=(jax.ShapeDtypeStruct((N, 32), jnp.float32),
                  jax.ShapeDtypeStruct((N, 32), jnp.float32),
                  jax.ShapeDtypeStruct((N, 8), jnp.float32),
                  jax.ShapeDtypeStruct((N, 8), jnp.float32)),
        mesh=mesh,
        scratch_types=(
            [pltpu.VMEM_SHARED((N, 32), jnp.float32),
             pltpu.VMEM_SHARED((N, 8), jnp.float32)]
            + [pltpu.VMEM((_SCH,), jnp.int32) for _ in range(2)]
            + [pltpu.VMEM((_SCH, 32), jnp.float32) for _ in range(2)]
            + [pltpu.VMEM((_SCH, 8), jnp.float32) for _ in range(2)]
            + [pltpu.VMEM((_STL,), jnp.int32),
               pltpu.VMEM((_STL, 32), jnp.float32),
               pltpu.VMEM((_STL, 8), jnp.float32)]
            + [pltpu.SemaphoreType.DMA for _ in range(2)]
        ),
        compiler_params=pltpu.CompilerParams(use_tc_tiling_on_sc=False),
    )
    def _scatter(coli, evz, z32, z8, out0, out1, outd0, outd1,
                 acc, den, ix0, ix1, va0, va1, ea0, ea1, ixt, vat, eat,
                 sm0, sm1):
        c = lax.axis_index("c")
        s = lax.axis_index("s")
        r0 = s * _NPW
        pltpu.sync_copy(z32, acc.at[pl.ds(r0, _NPW)])
        pltpu.sync_copy(z8, den.at[pl.ds(r0, _NPW)])
        plsc.subcore_barrier()
        e0 = s * _EPS

        def sweep(flo, my_parity):
            sets = ((ix0, va0, ea0, sm0), (ix1, va1, ea1, sm1))

            def chunk_pair(i, carry):
                base0 = e0 + (2 * i) * _SCH
                loads = []
                for half in range(2):
                    ix, va, ea, sm = sets[half]
                    base = base0 + half * _SCH
                    l1 = pltpu.async_copy(coli.at[pl.ds(base, _SCH)], ix, sm)
                    l2 = pltpu.async_copy(
                        evz.at[pl.ds(base, _SCH), pl.ds(flo, 32)], va, sm)
                    l3 = (pltpu.async_copy(
                        evz.at[pl.ds(base, _SCH), pl.ds(64, 8)], ea, sm)
                          if half == my_parity else None)
                    loads.append((l1, l2, l3))
                adds = []
                for half in range(2):
                    ix, va, ea, sm = sets[half]
                    l1, l2, l3 = loads[half]
                    l1.wait()
                    l2.wait()
                    if l3 is not None:
                        l3.wait()
                    adds.append(pltpu.async_copy(va, acc.at[ix], sm, add=True))
                    if l3 is not None:
                        adds.append(
                            pltpu.async_copy(ea, den.at[ix], sm, add=True))
                for a in adds:
                    a.wait()
                return carry

            lax.fori_loop(0, _SPR, chunk_pair, 0)

            lbase = e0 + (2 * _SPR) * _SCH
            pltpu.sync_copy(coli.at[pl.ds(lbase, _SCH)], ix0)
            pltpu.sync_copy(evz.at[pl.ds(lbase, _SCH), pl.ds(flo, 32)], va0)
            pltpu.sync_copy(va0, acc.at[ix0], add=True)
            if my_parity == 0:
                pltpu.sync_copy(evz.at[pl.ds(lbase, _SCH), pl.ds(64, 8)], ea0)
                pltpu.sync_copy(ea0, den.at[ix0], add=True)

            tbase = e0 + _SNF * _SCH
            pltpu.sync_copy(coli.at[pl.ds(tbase, _STL)], ixt)
            pltpu.sync_copy(evz.at[pl.ds(tbase, _STL), pl.ds(flo, 32)], vat)
            pltpu.sync_copy(vat, acc.at[ixt], add=True)
            if my_parity == 1:
                pltpu.sync_copy(evz.at[pl.ds(tbase, _STL), pl.ds(64, 8)], eat)
                pltpu.sync_copy(eat, den.at[ixt], add=True)

        @pl.when(c == 0)
        def _():
            sweep(0, 0)

        @pl.when(c == 1)
        def _():
            sweep(32, 1)

        plsc.subcore_barrier()

        @pl.when(c == 0)
        def _():
            pltpu.sync_copy(acc.at[pl.ds(r0, _NPW)], out0.at[pl.ds(r0, _NPW)])
            pltpu.sync_copy(den.at[pl.ds(r0, _NPW)], outd0.at[pl.ds(r0, _NPW)])

        @pl.when(c == 1)
        def _():
            pltpu.sync_copy(acc.at[pl.ds(r0, _NPW)], out1.at[pl.ds(r0, _NPW)])
            pltpu.sync_copy(den.at[pl.ds(r0, _NPW)], outd1.at[pl.ds(r0, _NPW)])

    return _scatter


@functools.cache
def _sc_kernels():
    mesh = plsc.VectorSubcoreMesh(
        core_axis_name="c", subcore_axis_name="s",
        num_cores=_NCR, num_subcores=_NSB)
    return _make_gather(mesh), _make_scatter(mesh)




def kernel(x_scalar, x_rot, edge_index, distance_embedding, rot,
           Wq, bq, Wk, bk, Wv, bv, Wd, bd):
    row = edge_index[0]
    col = edge_index[1]
    table = jnp.concatenate([x_scalar, x_rot.reshape(N, NREP * LMAX * 2)], axis=1)
    rot8 = rot.reshape(E, 8)
    _gather, _scatter = _sc_kernels()
    grc = _gather(table, row, col)
    z64 = jnp.zeros((64, 64), jnp.float32)
    Wqe = jnp.concatenate([z64, Wq], axis=0)
    Wke = jnp.concatenate([Wk, z64], axis=0)
    Wve = jnp.concatenate([Wv, z64], axis=0)
    evz = _dense(
        grc, rot8, distance_embedding,
        Wqe, Wke, Wve, Wd,
        bq.reshape(1, 64), bk.reshape(1, 64), bv.reshape(1, 64), bd.reshape(1, 64),
        *_CONSTS)
    z32 = jnp.zeros((_NPW, 32), jnp.float32)
    z8 = jnp.zeros((_NPW, 8), jnp.float32)
    acc0, acc1, den0, den1 = _scatter(col, evz, z32, z8)
    ms, mr = _div(acc0, acc1, den0, den1)
    return ms, mr.reshape(N, NREP, LMAX * 2)

# --- scband reference (transcript-rebuilt; emitter-appended) ---
"""Pipeline reference for scband-eq-layer-88656714925230 (READ-ONLY COPY).

The authoritative reference and input builder live on the scoring server;
editing this copy changes nothing except your own understanding.
"""

import jax, jax.numpy as jnp
import numpy as np

N = 50000
E = 800000
NSC = 32
NREP = 8
LMAX = 2
DEMB = 16
XDIM = NSC + NREP * LMAX * 2  # 64


def setup_inputs(seed: int = 0) -> dict:
    key = jax.random.key(seed)
    ks = jax.random.split(key, 10)
    x_scalar = jax.random.normal(ks[0], (N, NSC), dtype=jnp.float32)
    x_rot = jax.random.normal(ks[1], (N, NREP, LMAX * 2), dtype=jnp.float32)
    edge_index = jax.random.randint(ks[2], (2, E), 0, N, dtype=jnp.int32)
    distance_embedding = jax.random.normal(ks[3], (E, DEMB), dtype=jnp.float32)
    rot = jax.random.normal(ks[4], (E, LMAX, 2, 2), dtype=jnp.float32)
    s = 1.0 / np.sqrt(XDIM)
    Wq = jax.random.normal(ks[5], (XDIM, XDIM), dtype=jnp.float32) * s
    Wk = jax.random.normal(ks[6], (XDIM, XDIM), dtype=jnp.float32) * s
    Wv = jax.random.normal(ks[7], (XDIM, XDIM), dtype=jnp.float32) * s
    Wd = jax.random.normal(ks[8], (DEMB, XDIM), dtype=jnp.float32) * (1.0 / np.sqrt(DEMB))
    bq = jnp.zeros((XDIM,), dtype=jnp.float32)
    bk = jnp.zeros((XDIM,), dtype=jnp.float32)
    bv = jnp.zeros((XDIM,), dtype=jnp.float32)
    bd = jnp.zeros((XDIM,), dtype=jnp.float32)
    return {"x_scalar": x_scalar, "x_rot": x_rot, "edge_index": edge_index,
            "distance_embedding": distance_embedding, "rot": rot,
            "Wq": Wq, "bq": bq, "Wk": Wk, "bk": bk, "Wv": Wv, "bv": bv, "Wd": Wd, "bd": bd}


def reference(x_scalar, x_rot, edge_index, distance_embedding, rot, Wq, bq, Wk, bk, Wv, bv, Wd, bd):
    row = edge_index[0]
    col = edge_index[1]
    rot_inv = jnp.swapaxes(rot, 2, 3)
    # gather + rotate source features into edge frame
    xs = x_rot[row].reshape(E, NREP, LMAX, 2)
    xs = jnp.einsum('njkm,nkml->njkl', xs, rot_inv)
    x_src = jnp.concatenate([x_scalar[row], xs.reshape(E, -1)], axis=1)
    xd = x_rot[col].reshape(E, NREP, LMAX, 2)
    xd = jnp.einsum('njkm,nkml->njkl', xd, rot_inv)
    x_dst = jnp.concatenate([x_scalar[col], xd.reshape(E, -1)], axis=1)
    # TransformerMessage: q/k/v projections, distance gating, per-dst segment softmax
    q = x_dst @ Wq + bq
    k = x_src @ Wk + bk
    v = x_src @ Wv + bv
    g = distance_embedding @ Wd + bd
    logits = jnp.sum(q * k * g, axis=-1) / jnp.sqrt(jnp.float32(XDIM))
    m = jax.ops.segment_max(logits, col, num_segments=N)
    m = jnp.where(jnp.isfinite(m), m, 0.0)
    e = jnp.exp(logits - m[col])
    denom = jax.ops.segment_sum(e, col, num_segments=N)
    alpha = e / jnp.maximum(denom[col], 1e-16)
    x_out = alpha[:, None] * v
    mess_scalar_e = x_out[:, :NSC]
    mr = x_out[:, NSC:].reshape(E, NREP, LMAX, 2)
    mr = jnp.einsum('njkm,nkml->njkl', mr, rot).reshape(E, NREP, LMAX * 2)
    mess_rot = jax.ops.segment_sum(mr, col, num_segments=N)
    mess_scalar = jax.ops.segment_sum(mess_scalar_e, col, num_segments=N)
    return mess_scalar, mess_rot

if __name__ == "__main__":
    import jax
    _d = setup_inputs()
    print(jax.jit(kernel)(*tuple(_d.values())))

</pallas_src>

<mosaic_0001>
#map = affine_map<(d0, d1) -> (0)>
#map1 = affine_map<(d0, d1) -> (0, 0)>
module attributes {stable_mosaic.version = 14 : i64} {
  func.func @_scatter(%arg0: i32, %arg1: i32, %arg2: memref<800000xi32, #tpu.memory_space<hbm>>, %arg3: memref<800000x128xf32, #tpu.memory_space<hbm>>, %arg4: memref<3125x32xf32, #tpu.memory_space<hbm>>, %arg5: memref<3125x8xf32, #tpu.memory_space<hbm>>, %arg6: memref<50000x32xf32, #tpu.memory_space<hbm>>, %arg7: memref<50000x32xf32, #tpu.memory_space<hbm>>, %arg8: memref<50000x8xf32, #tpu.memory_space<hbm>>, %arg9: memref<50000x8xf32, #tpu.memory_space<hbm>>, %arg10: memref<50000x32xf32, #tpu.memory_space<vmem_shared>>, %arg11: memref<50000x8xf32, #tpu.memory_space<vmem_shared>>, %arg12: memref<64xi32, #tpu.memory_space<vmem>>, %arg13: memref<64xi32, #tpu.memory_space<vmem>>, %arg14: memref<64x32xf32, #tpu.memory_space<vmem>>, %arg15: memref<64x32xf32, #tpu.memory_space<vmem>>, %arg16: memref<64x8xf32, #tpu.memory_space<vmem>>, %arg17: memref<64x8xf32, #tpu.memory_space<vmem>>, %arg18: memref<16xi32, #tpu.memory_space<vmem>>, %arg19: memref<16x32xf32, #tpu.memory_space<vmem>>, %arg20: memref<16x8xf32, #tpu.memory_space<vmem>>, %arg21: memref<!tpu.dma_semaphore, #tpu.memory_space<semaphore_mem>>, %arg22: memref<!tpu.dma_semaphore, #tpu.memory_space<semaphore_mem>>) attributes {dimension_semantics = [#tpu.dimension_semantics<core_parallel>, #tpu.dimension_semantics<subcore_parallel>], iteration_bounds = array<i64: 2, 16>, scalar_prefetch = 0 : i64, scratch_operands = 13 : i64, tpu.core_type = #tpu.core_type<sc_vector_subcore>, window_params = [{transform_indices = #map}, {transform_indices = #map1}, {transform_indices = #map1}, {transform_indices = #map1}, {transform_indices = #map1}, {transform_indices = #map1}, {transform_indices = #map1}, {transform_indices = #map1}]} {
    %mul3A = arith.constant 3125 : i32
    %mul3A_0 = arith.muli %arg1, %mul3A : i32
    "tpu.region"() ({
      %run_scoped3A = tpu.sem_alloc : memref<!tpu.dma_semaphore, #tpu.memory_space<semaphore_mem>>
      %dma_start3A = arith.constant 0 : i32
      %dma_start3A_21 = tpu.memref_slice %arg10[%mul3A_0, %dma_start3A] : memref<50000x32xf32, #tpu.memory_space<vmem_shared>> -> memref<3125x32xf32, #tpu.memory_space<vmem_shared>>
      tpu.enqueue_dma source(%arg4 : memref<3125x32xf32, #tpu.memory_space<hbm>>) target(%dma_start3A_21 : memref<3125x32xf32, #tpu.memory_space<vmem_shared>>) target_semaphore(%run_scoped3A : memref<!tpu.dma_semaphore, #tpu.memory_space<semaphore_mem>>)
      %dma_wait3A = arith.constant 0 : i32
      %dma_wait3A_22 = tpu.memref_slice %arg10[%mul3A_0, %dma_wait3A] : memref<50000x32xf32, #tpu.memory_space<vmem_shared>> -> memref<3125x32xf32, #tpu.memory_space<vmem_shared>>
      tpu.wait_dma2 semaphore(%run_scoped3A : memref<!tpu.dma_semaphore, #tpu.memory_space<semaphore_mem>>) src(%arg4 : memref<3125x32xf32, #tpu.memory_space<hbm>>) dst(%dma_wait3A_22 : memref<3125x32xf32, #tpu.memory_space<vmem_shared>>)
      tpu.yield
    }) : () -> ()
    "tpu.region"() ({
      %run_scoped3A = tpu.sem_alloc : memref<!tpu.dma_semaphore, #tpu.memory_space<semaphore_mem>>
      %dma_start3A = arith.constant 0 : i32
      %dma_start3A_21 = tpu.memref_slice %arg11[%mul3A_0, %dma_start3A] : memref<50000x8xf32, #tpu.memory_space<vmem_shared>> -> memref<3125x8xf32, #tpu.memory_space<vmem_shared>>
      tpu.enqueue_dma source(%arg5 : memref<3125x8xf32, #tpu.memory_space<hbm>>) target(%dma_start3A_21 : memref<3125x8xf32, #tpu.memory_space<vmem_shared>>) target_semaphore(%run_scoped3A : memref<!tpu.dma_semaphore, #tpu.memory_space<semaphore_mem>>)
      %dma_wait3A = arith.constant 0 : i32
      %dma_wait3A_22 = tpu.memref_slice %arg11[%mul3A_0, %dma_wait3A] : memref<50000x8xf32, #tpu.memory_space<vmem_shared>> -> memref<3125x8xf32, #tpu.memory_space<vmem_shared>>
      tpu.wait_dma2 semaphore(%run_scoped3A : memref<!tpu.dma_semaphore, #tpu.memory_space<semaphore_mem>>) src(%arg5 : memref<3125x8xf32, #tpu.memory_space<hbm>>) dst(%dma_wait3A_22 : memref<3125x8xf32, #tpu.memory_space<vmem_shared>>)
      tpu.yield
    }) : () -> ()
    %barrier3A = arith.constant 0 : index
    tpu.barrier barrier_id(%barrier3A)
    %mul3A_1 = arith.constant 50000 : i32
    %mul3A_2 = arith.muli %arg1, %mul3A_1 : i32
    %eq3A = arith.constant 0 : i32
    %eq3A_3 = arith.cmpi eq, %arg0, %eq3A : i32
    %convert_element_type3A = arith.extui %eq3A_3 : i1 to i32
    %cond3A = arith.constant 0 : i32
    %cond3A_4 = arith.cmpi ne, %convert_element_type3A, %cond3A : i32
    scf.if %cond3A_4 {
      %scan3A = arith.constant 0 : i32
      %scan3A_21 = arith.constant 0 : i32
      %scan3A_22 = arith.constant 390 : i32
      %scan3A_23 = arith.addi %scan3A_21, %scan3A_22 : i32
      %scan3A_24 = arith.constant 1 : i32
      scf.for %scan3A_29 = %scan3A_21 to %scan3A_23 step %scan3A_24  : i32 {
        %mul3A_30 = arith.constant 2 : i32
        %mul3A_31 = arith.muli %mul3A_30, %scan3A_29 : i32
        %mul3A_32 = arith.constant 64 : i32
        %mul3A_33 = arith.muli %mul3A_31, %mul3A_32 : i32
        %add3A_34 = arith.addi %mul3A_2, %mul3A_33 : i32
        %add3A_35 = arith.constant 0 : i32
        %add3A_36 = arith.addi %add3A_34, %add3A_35 : i32
        %dma_start3A = tpu.memref_slice %arg2[%add3A_36] : memref<800000xi32, #tpu.memory_space<hbm>> -> memref<64xi32, #tpu.memory_space<hbm>>
        %dma_start3A_37 = tpu.memref_slice %arg2[%add3A_36] : memref<800000xi32, #tpu.memory_space<hbm>> -> memref<64xi32, #tpu.memory_space<hbm>>
        tpu.enqueue_dma source(%dma_start3A_37 : memref<64xi32, #tpu.memory_space<hbm>>) target(%arg12 : memref<64xi32, #tpu.memory_space<vmem>>) target_semaphore(%arg21 : memref<!tpu.dma_semaphore, #tpu.memory_space<semaphore_mem>>)
        %dma_start3A_38 = arith.constant 0 : i32
        %dma_start3A_39 = tpu.memref_slice %arg3[%add3A_36, %dma_start3A_38] : memref<800000x128xf32, #tpu.memory_space<hbm>> -> memref<64x32xf32, #tpu.memory_space<hbm>>
        %dma_start3A_40 = arith.constant 0 : i32
        %dma_start3A_41 = tpu.memref_slice %arg3[%add3A_36, %dma_start3A_40] : memref<800000x128xf32, #tpu.memory_space<hbm>> -> memref<64x32xf32, #tpu.memory_space<hbm>>
        tpu.enqueue_dma source(%dma_start3A_41 : memref<64x32xf32, #tpu.memory_space<hbm>>) target(%arg14 : memref<64x32xf32, #tpu.memory_space<vmem>>) target_semaphore(%arg21 : memref<!tpu.dma_semaphore, #tpu.memory_space<semaphore_mem>>)
        %dma_start3A_42 = arith.constant 64 : i32
        %dma_start3A_43 = tpu.memref_slice %arg3[%add3A_36, %dma_start3A_42] : memref<800000x128xf32, #tpu.memory_space<hbm>> -> memref<64x8xf32, #tpu.memory_space<hbm>>
        %dma_start3A_44 = arith.constant 64 : i32
        %dma_start3A_45 = tpu.memref_slice %arg3[%add3A_36, %dma_start3A_44] : memref<800000x128xf32, #tpu.memory_space<hbm>> -> memref<64x8xf32, #tpu.memory_space<hbm>>
        tpu.enqueue_dma source(%dma_start3A_45 : memref<64x8xf32, #tpu.memory_space<hbm>>) target(%arg16 : memref<64x8xf32, #tpu.memory_space<vmem>>) target_semaphore(%arg21 : memref<!tpu.dma_semaphore, #tpu.memory_space<semaphore_mem>>)
        %add3A_46 = arith.constant 64 : i32
        %add3A_47 = arith.addi %add3A_34, %add3A_46 : i32
        %dma_start3A_48 = tpu.memref_slice %arg2[%add3A_47] : memref<800000xi32, #tpu.memory_space<hbm>> -> memref<64xi32, #tpu.memory_space<hbm>>
        %dma_start3A_49 = tpu.memref_slice %arg2[%add3A_47] : memref<800000xi32, #tpu.memory_space<hbm>> -> memref<64xi32, #tpu.memory_space<hbm>>
        tpu.enqueue_dma source(%dma_start3A_49 : memref<64xi32, #tpu.memory_space<hbm>>) target(%arg13 : memref<64xi32, #tpu.memory_space<vmem>>) target_semaphore(%arg22 : memref<!tpu.dma_semaphore, #tpu.memory_space<semaphore_mem>>)
        %dma_start3A_50 = arith.constant 0 : i32
        %dma_start3A_51 = tpu.memref_slice %arg3[%add3A_47, %dma_start3A_50] : memref<800000x128xf32, #tpu.memory_space<hbm>> -> memref<64x32xf32, #tpu.memory_space<hbm>>
        %dma_start3A_52 = arith.constant 0 : i32
        %dma_start3A_53 = tpu.memref_slice %arg3[%add3A_47, %dma_start3A_52] : memref<800000x128xf32, #tpu.memory_space<hbm>> -> memref<64x32xf32, #tpu.memory_space<hbm>>
        tpu.enqueue_dma source(%dma_start3A_53 : memref<64x32xf32, #tpu.memory_space<hbm>>) target(%arg15 : memref<64x32xf32, #tpu.memory_space<vmem>>) target_semaphore(%arg22 : memref<!tpu.dma_semaphore, #tpu.memory_space<semaphore_mem>>)
        %dma_wait3A = tpu.memref_slice %arg2[%add3A_36] : memref<800000xi32, #tpu.memory_space<hbm>> -> memref<64xi32, #tpu.memory_space<hbm>>
        %dma_wait3A_54 = tpu.memref_slice %arg2[%add3A_36] : memref<800000xi32, #tpu.memory_space<hbm>> -> memref<64xi32, #tpu.memory_space<hbm>>
        tpu.wait_dma2 semaphore(%arg21 : memref<!tpu.dma_semaphore, #tpu.memory_space<semaphore_mem>>) src(%dma_wait3A_54 : memref<64xi32, #tpu.memory_space<hbm>>) dst(%arg12 : memref<64xi32, #tpu.memory_space<vmem>>)
        %dma_wait3A_55 = arith.constant 0 : i32
        %dma_wait3A_56 = tpu.memref_slice %arg3[%add3A_36, %dma_wait3A_55] : memref<800000x128xf32, #tpu.memory_space<hbm>> -> memref<64x32xf32, #tpu.memory_space<hbm>>
        %dma_wait3A_57 = arith.constant 0 : i32
        %dma_wait3A_58 = tpu.memref_slice %arg3[%add3A_36, %dma_wait3A_57] : memref<800000x128xf32, #tpu.memory_space<hbm>> -> memref<64x32xf32, #tpu.memory_space<hbm>>
        tpu.wait_dma2 semaphore(%arg21 : memref<!tpu.dma_semaphore, #tpu.memory_space<semaphore_mem>>) src(%dma_wait3A_58 : memref<64x32xf32, #tpu.memory_space<hbm>>) dst(%arg14 : memref<64x32xf32, #tpu.memory_space<vmem>>)
        %dma_wait3A_59 = arith.constant 64 : i32
        %dma_wait3A_60 = tpu.memref_slice %arg3[%add3A_36, %dma_wait3A_59] : memref<800000x128xf32, #tpu.memory_space<hbm>> -> memref<64x8xf32, #tpu.memory_space<hbm>>
        %dma_wait3A_61 = arith.constant 64 : i32
        %dma_wait3A_62 = tpu.memref_slice %arg3[%add3A_36, %dma_wait3A_61] : memref<800000x128xf32, #tpu.memory_space<hbm>> -> memref<64x8xf32, #tpu.memory_space<hbm>>
        tpu.wait_dma2 semaphore(%arg21 : memref<!tpu.dma_semaphore, #tpu.memory_space<semaphore_mem>>) src(%dma_wait3A_62 : memref<64x8xf32, #tpu.memory_space<hbm>>) dst(%arg16 : memref<64x8xf32, #tpu.memory_space<vmem>>)
        %dma_start3A_63 = arith.constant 0 : i32
        %dma_start3A_64 = arith.constant 0 : i32
        %dma_start3A_65 = tpu.memref_slice %arg10[%dma_start3A_63, %dma_start3A_64] : memref<50000x32xf32, #tpu.memory_space<vmem_shared>> -> memref<50000x32xf32, #tpu.memory_space<vmem_shared>>
        tpu.enqueue_indirect_dma source(%arg14 : memref<64x32xf32, #tpu.memory_space<vmem>>) target(%dma_start3A_65 : memref<50000x32xf32, #tpu.memory_space<vmem_shared>>) offsets(%arg12 : memref<64xi32, #tpu.memory_space<vmem>>) semaphore(%arg21 : memref<!tpu.dma_semaphore, #tpu.memory_space<semaphore_mem>>) {add = true}
        %dma_start3A_66 = arith.constant 0 : i32
        %dma_start3A_67 = arith.constant 0 : i32
        %dma_start3A_68 = tpu.memref_slice %arg11[%dma_start3A_66, %dma_start3A_67] : memref<50000x8xf32, #tpu.memory_space<vmem_shared>> -> memref<50000x8xf32, #tpu.memory_space<vmem_shared>>
        tpu.enqueue_indirect_dma source(%arg16 : memref<64x8xf32, #tpu.memory_space<vmem>>) target(%dma_start3A_68 : memref<50000x8xf32, #tpu.memory_space<vmem_shared>>) offsets(%arg12 : memref<64xi32, #tpu.memory_space<vmem>>) semaphore(%arg21 : memref<!tpu.dma_semaphore, #tpu.memory_space<semaphore_mem>>) {add = true}
        %dma_wait3A_69 = tpu.memref_slice %arg2[%add3A_47] : memref<800000xi32, #tpu.memory_space<hbm>> -> memref<64xi32, #tpu.memory_space<hbm>>
        %dma_wait3A_70 = tpu.memref_slice %arg2[%add3A_47] : memref<800000xi32, #tpu.memory_space<hbm>> -> memref<64xi32, #tpu.memory_space<hbm>>
        tpu.wait_dma2 semaphore(%arg22 : memref<!tpu.dma_semaphore, #tpu.memory_space<semaphore_mem>>) src(%dma_wait3A_70 : memref<64xi32, #tpu.memory_space<hbm>>) dst(%arg13 : memref<64xi32, #tpu.memory_space<vmem>>)
        %dma_wait3A_71 = arith.constant 0 : i32
        %dma_wait3A_72 = tpu.memref_slice %arg3[%add3A_47, %dma_wait3A_71] : memref<800000x128xf32, #tpu.memory_space<hbm>> -> memref<64x32xf32, #tpu.memory_space<hbm>>
        %dma_wait3A_73 = arith.constant 0 : i32
        %dma_wait3A_74 = tpu.memref_slice %arg3[%add3A_47, %dma_wait3A_73] : memref<800000x128xf32, #tpu.memory_space<hbm>> -> memref<64x32xf32, #tpu.memory_space<hbm>>
        tpu.wait_dma2 semaphore(%arg22 : memref<!tpu.dma_semaphore, #tpu.memory_space<semaphore_mem>>) src(%dma_wait3A_74 : memref<64x32xf32, #tpu.memory_space<hbm>>) dst(%arg15 : memref<64x32xf32, #tpu.memory_space<vmem>>)
        %dma_start3A_75 = arith.constant 0 : i32
        %dma_start3A_76 = arith.constant 0 : i32
        %dma_start3A_77 = tpu.memref_slice %arg10[%dma_start3A_75, %dma_start3A_76] : memref<50000x32xf32, #tpu.memory_space<vmem_shared>> -> memref<50000x32xf32, #tpu.memory_space<vmem_shared>>
        tpu.enqueue_indirect_dma source(%arg15 : memref<64x32xf32, #tpu.memory_space<vmem>>) target(%dma_start3A_77 : memref<50000x32xf32, #tpu.memory_space<vmem_shared>>) offsets(%arg13 : memref<64xi32, #tpu.memory_space<vmem>>) semaphore(%arg22 : memref<!tpu.dma_semaphore, #tpu.memory_space<semaphore_mem>>) {add = true}
        %dma_wait3A_78 = arith.constant 0 : i32
        %dma_wait3A_79 = arith.constant 0 : i32
        %dma_wait3A_80 = tpu.memref_slice %arg10[%dma_wait3A_78, %dma_wait3A_79] : memref<50000x32xf32, #tpu.memory_space<vmem_shared>> -> memref<50000x32xf32, #tpu.memory_space<vmem_shared>>
        tpu.wait_indirect_dma semaphore(%arg21 : memref<!tpu.dma_semaphore, #tpu.memory_space<semaphore_mem>>) src(%arg14 : memref<64x32xf32, #tpu.memory_space<vmem>>) dst(%dma_wait3A_80 : memref<50000x32xf32, #tpu.memory_space<vmem_shared>>)
        %dma_wait3A_81 = arith.constant 0 : i32
        %dma_wait3A_82 = arith.constant 0 : i32
        %dma_wait3A_83 = tpu.memref_slice %arg11[%dma_wait3A_81, %dma_wait3A_82] : memref<50000x8xf32, #tpu.memory_space<vmem_shared>> -> memref<50000x8xf32, #tpu.memory_space<vmem_shared>>
        tpu.wait_indirect_dma semaphore(%arg21 : memref<!tpu.dma_semaphore, #tpu.memory_space<semaphore_mem>>) src(%arg16 : memref<64x8xf32, #tpu.memory_space<vmem>>) dst(%dma_wait3A_83 : memref<50000x8xf32, #tpu.memory_space<vmem_shared>>)
        %dma_wait3A_84 = arith.constant 0 : i32
        %dma_wait3A_85 = arith.constant 0 : i32
        %dma_wait3A_86 = tpu.memref_slice %arg10[%dma_wait3A_84, %dma_wait3A_85] : memref<50000x32xf32, #tpu.memory_space<vmem_shared>> -> memref<50000x32xf32, #tpu.memory_space<vmem_shared>>
        tpu.wait_indirect_dma semaphore(%arg22 : memref<!tpu.dma_semaphore, #tpu.memory_space<semaphore_mem>>) src(%arg15 : memref<64x32xf32, #tpu.memory_space<vmem>>) dst(%dma_wait3A_86 : memref<50000x32xf32, #tpu.memory_space<vmem_shared>>)
      }
      %scan3A_25 = arith.constant 390 : i32
      %add3A = arith.constant 49920 : i32
      %add3A_26 = arith.addi %mul3A_2, %add3A : i32
      "tpu.region"() ({
        %run_scoped3A = tpu.sem_alloc : memref<!tpu.dma_semaphore, #tpu.memory_space<semaphore_mem>>
        %dma_start3A = tpu.memref_slice %arg2[%add3A_26] : memref<800000xi32, #tpu.memory_space<hbm>> -> memref<64xi32, #tpu.memory_space<hbm>>
        %dma_start3A_29 = tpu.memref_slice %arg2[%add3A_26] : memref<800000xi32, #tpu.memory_space<hbm>> -> memref<64xi32, #tpu.memory_space<hbm>>
        tpu.enqueue_dma source(%dma_start3A_29 : memref<64xi32, #tpu.memory_space<hbm>>) target(%arg12 : memref<64xi32, #tpu.memory_space<vmem>>) target_semaphore(%run_scoped3A : memref<!tpu.dma_semaphore, #tpu.memory_space<semaphore_mem>>)
        %dma_wait3A = tpu.memref_slice %arg2[%add3A_26] : memref<800000xi32, #tpu.memory_space<hbm>> -> memref<64xi32, #tpu.memory_space<hbm>>
        %dma_wait3A_30 = tpu.memref_slice %arg2[%add3A_26] : memref<800000xi32, #tpu.memory_space<hbm>> -> memref<64xi32, #tpu.memory_space<hbm>>
        tpu.wait_dma2 semaphore(%run_scoped3A : memref<!tpu.dma_semaphore, #tpu.memory_space<semaphore_mem>>) src(%dma_wait3A_30 : memref<64xi32, #tpu.memory_space<hbm>>) dst(%arg12 : memref<64xi32, #tpu.memory_space<vmem>>)
        tpu.yield
      }) : () -> ()
      "tpu.region"() ({
        %run_scoped3A = tpu.sem_alloc : memref<!tpu.dma_semaphore, #tpu.memory_space<semaphore_mem>>
        %dma_start3A = arith.constant 0 : i32
        %dma_start3A_29 = tpu.memref_slice %arg3[%add3A_26, %dma_start3A] : memref<800000x128xf32, #tpu.memory_space<hbm>> -> memref<64x32xf32, #tpu.memory_space<hbm>>
        %dma_start3A_30 = arith.constant 0 : i32
        %dma_start3A_31 = tpu.memref_slice %arg3[%add3A_26, %dma_start3A_30] : memref<800000x128xf32, #tpu.memory_space<hbm>> -> memref<64x32xf32, #tpu.memory_space<hbm>>
        tpu.enqueue_dma source(%dma_start3A_31 : memref<64x32xf32, #tpu.memory_space<hbm>>) target(%arg14 : memref<64x32xf32, #tpu.memory_space<vmem>>) target_semaphore(%run_scoped3A : memref<!tpu.dma_semaphore, #tpu.memory_space<semaphore_mem>>)
        %dma_wait3A = arith.constant 0 : i32
        %dma_wait3A_32 = tpu.memref_slice %arg3[%add3A_26, %dma_wait3A] : memref<800000x128xf32, #tpu.memory_space<hbm>> -> memref<64x32xf32, #tpu.memory_space<hbm>>
        %dma_wait3A_33 = arith.constant 0 : i32
        %dma_wait3A_34 = tpu.memref_slice %arg3[%add3A_26, %dma_wait3A_33] : memref<800000x128xf32, #tpu.memory_space<hbm>> -> memref<64x32xf32, #tpu.memory_space<hbm>>
        tpu.wait_dma2 semaphore(%run_scoped3A : memref<!tpu.dma_semaphore, #tpu.memory_space<semaphore_mem>>) src(%dma_wait3A_34 : memref<64x32xf32, #tpu.memory_space<hbm>>) dst(%arg14 : memref<64x32xf32, #tpu.memory_space<vmem>>)
        tpu.yield
      }) : () -> ()
      "tpu.region"() ({
        %run_scoped3A = tpu.sem_alloc : memref<!tpu.dma_semaphore, #tpu.memory_space<semaphore_mem>>
        %dma_start3A = arith.constant 0 : i32
        %dma_start3A_29 = arith.constant 0 : i32
        %dma_start3A_30 = tpu.memref_slice %arg10[%dma_start3A, %dma_start3A_29] : memref<50000x32xf32, #tpu.memory_space<vmem_shared>> -> memref<50000x32xf32, #tpu.memory_space<vmem_shared>>
        tpu.enqueue_indirect_dma source(%arg14 : memref<64x32xf32, #tpu.memory_space<vmem>>) target(%dma_start3A_30 : memref<50000x32xf32, #tpu.memory_space<vmem_shared>>) offsets(%arg12 : memref<64xi32, #tpu.memory_space<vmem>>) semaphore(%run_scoped3A : memref<!tpu.dma_semaphore, #tpu.memory_space<semaphore_mem>>) {add = true}
        %dma_wait3A = arith.constant 0 : i32
        %dma_wait3A_31 = arith.constant 0 : i32
        %dma_wait3A_32 = tpu.memref_slice %arg10[%dma_wait3A, %dma_wait3A_31] : memref<50000x32xf32, #tpu.memory_space<vmem_shared>> -> memref<50000x32xf32, #tpu.memory_space<vmem_shared>>
        tpu.wait_indirect_dma semaphore(%run_scoped3A : memref<!tpu.dma_semaphore, #tpu.memory_space<semaphore_mem>>) src(%arg14 : memref<64x32xf32, #tpu.memory_space<vmem>>) dst(%dma_wait3A_32 : memref<50000x32xf32, #tpu.memory_space<vmem_shared>>)
        tpu.yield
      }) : () -> ()
      "tpu.region"() ({
        %run_scoped3A = tpu.sem_alloc : memref<!tpu.dma_semaphore, #tpu.memory_space<semaphore_mem>>
        %dma_start3A = arith.constant 64 : i32
        %dma_start3A_29 = tpu.memref_slice %arg3[%add3A_26, %dma_start3A] : memref<800000x128xf32, #tpu.memory_space<hbm>> -> memref<64x8xf32, #tpu.memory_space<hbm>>
        %dma_start3A_30 = arith.constant 64 : i32
        %dma_start3A_31 = tpu.memref_slice %arg3[%add3A_26, %dma_start3A_30] : memref<800000x128xf32, #tpu.memory_space<hbm>> -> memref<64x8xf32, #tpu.memory_space<hbm>>
        tpu.enqueue_dma source(%dma_start3A_31 : memref<64x8xf32, #tpu.memory_space<hbm>>) target(%arg16 : memref<64x8xf32, #tpu.memory_space<vmem>>) target_semaphore(%run_scoped3A : memref<!tpu.dma_semaphore, #tpu.memory_space<semaphore_mem>>)
        %dma_wait3A = arith.constant 64 : i32
        %dma_wait3A_32 = tpu.memref_slice %arg3[%add3A_26, %dma_wait3A] : memref<800000x128xf32, #tpu.memory_space<hbm>> -> memref<64x8xf32, #tpu.memory_space<hbm>>
        %dma_wait3A_33 = arith.constant 64 : i32
        %dma_wait3A_34 = tpu.memref_slice %arg3[%add3A_26, %dma_wait3A_33] : memref<800000x128xf32, #tpu.memory_space<hbm>> -> memref<64x8xf32, #tpu.memory_space<hbm>>
        tpu.wait_dma2 semaphore(%run_scoped3A : memref<!tpu.dma_semaphore, #tpu.memory_space<semaphore_mem>>) src(%dma_wait3A_34 : memref<64x8xf32, #tpu.memory_space<hbm>>) dst(%arg16 : memref<64x8xf32, #tpu.memory_space<vmem>>)
        tpu.yield
      }) : () -> ()
      "tpu.region"() ({
        %run_scoped3A = tpu.sem_alloc : memref<!tpu.dma_semaphore, #tpu.memory_space<semaphore_mem>>
        %dma_start3A = arith.constant 0 : i32
        %dma_start3A_29 = arith.constant 0 : i32
        %dma_start3A_30 = tpu.memref_slice %arg11[%dma_start3A, %dma_start3A_29] : memref<50000x8xf32, #tpu.memory_space<vmem_shared>> -> memref<50000x8xf32, #tpu.memory_space<vmem_shared>>
        tpu.enqueue_indirect_dma source(%arg16 : memref<64x8xf32, #tpu.memory_space<vmem>>) target(%dma_start3A_30 : memref<50000x8xf32, #tpu.memory_space<vmem_shared>>) offsets(%arg12 : memref<64xi32, #tpu.memory_space<vmem>>) semaphore(%run_scoped3A : memref<!tpu.dma_semaphore, #tpu.memory_space<semaphore_mem>>) {add = true}
        %dma_wait3A = arith.constant 0 : i32
        %dma_wait3A_31 = arith.constant 0 : i32
        %dma_wait3A_32 = tpu.memref_slice %arg11[%dma_wait3A, %dma_wait3A_31] : memref<50000x8xf32, #tpu.memory_space<vmem_shared>> -> memref<50000x8xf32, #tpu.memory_space<vmem_shared>>
        tpu.wait_indirect_dma semaphore(%run_scoped3A : memref<!tpu.dma_semaphore, #tpu.memory_space<semaphore_mem>>) src(%arg16 : memref<64x8xf32, #tpu.memory_space<vmem>>) dst(%dma_wait3A_32 : memref<50000x8xf32, #tpu.memory_space<vmem_shared>>)
        tpu.yield
      }) : () -> ()
      %add3A_27 = arith.constant 49984 : i32
      %add3A_28 = arith.addi %mul3A_2, %add3A_27 : i32
      "tpu.region"() ({
        %run_scoped3A = tpu.sem_alloc : memref<!tpu.dma_semaphore, #tpu.memory_space<semaphore_mem>>
        %dma_start3A = tpu.memref_slice %arg2[%add3A_28] : memref<800000xi32, #tpu.memory_space<hbm>> -> memref<16xi32, #tpu.memory_space<hbm>>
        %dma_start3A_29 = tpu.memref_slice %arg2[%add3A_28] : memref<800000xi32, #tpu.memory_space<hbm>> -> memref<16xi32, #tpu.memory_space<hbm>>
        tpu.enqueue_dma source(%dma_start3A_29 : memref<16xi32, #tpu.memory_space<hbm>>) target(%arg18 : memref<16xi32, #tpu.memory_space<vmem>>) target_semaphore(%run_scoped3A : memref<!tpu.dma_semaphore, #tpu.memory_space<semaphore_mem>>)
        %dma_wait3A = tpu.memref_slice %arg2[%add3A_28] : memref<800000xi32, #tpu.memory_space<hbm>> -> memref<16xi32, #tpu.memory_space<hbm>>
        %dma_wait3A_30 = tpu.memref_slice %arg2[%add3A_28] : memref<800000xi32, #tpu.memory_space<hbm>> -> memref<16xi32, #tpu.memory_space<hbm>>
        tpu.wait_dma2 semaphore(%run_scoped3A : memref<!tpu.dma_semaphore, #tpu.memory_space<semaphore_mem>>) src(%dma_wait3A_30 : memref<16xi32, #tpu.memory_space<hbm>>) dst(%arg18 : memref<16xi32, #tpu.memory_space<vmem>>)
        tpu.yield
      }) : () -> ()
      "tpu.region"() ({
        %run_scoped3A = tpu.sem_alloc : memref<!tpu.dma_semaphore, #tpu.memory_space<semaphore_mem>>
        %dma_start3A = arith.constant 0 : i32
        %dma_start3A_29 = tpu.memref_slice %arg3[%add3A_28, %dma_start3A] : memref<800000x128xf32, #tpu.memory_space<hbm>> -> memref<16x32xf32, #tpu.memory_space<hbm>>
        %dma_start3A_30 = arith.constant 0 : i32
        %dma_start3A_31 = tpu.memref_slice %arg3[%add3A_28, %dma_start3A_30] : memref<800000x128xf32, #tpu.memory_space<hbm>> -> memref<16x32xf32, #tpu.memory_space<hbm>>
        tpu.enqueue_dma source(%dma_start3A_31 : memref<16x32xf32, #tpu.memory_space<hbm>>) target(%arg19 : memref<16x32xf32, #tpu.memory_space<vmem>>) target_semaphore(%run_scoped3A : memref<!tpu.dma_semaphore, #tpu.memory_space<semaphore_mem>>)
        %dma_wait3A = arith.constant 0 : i32
        %dma_wait3A_32 = tpu.memref_slice %arg3[%add3A_28, %dma_wait3A] : memref<800000x128xf32, #tpu.memory_space<hbm>> -> memref<16x32xf32, #tpu.memory_space<hbm>>
        %dma_wait3A_33 = arith.constant 0 : i32
        %dma_wait3A_34 = tpu.memref_slice %arg3[%add3A_28, %dma_wait3A_33] : memref<800000x128xf32, #tpu.memory_space<hbm>> -> memref<16x32xf32, #tpu.memory_space<hbm>>
        tpu.wait_dma2 semaphore(%run_scoped3A : memref<!tpu.dma_semaphore, #tpu.memory_space<semaphore_mem>>) src(%dma_wait3A_34 : memref<16x32xf32, #tpu.memory_space<hbm>>) dst(%arg19 : memref<16x32xf32, #tpu.memory_space<vmem>>)
        tpu.yield
      }) : () -> ()
      "tpu.region"() ({
        %run_scoped3A = tpu.sem_alloc : memref<!tpu.dma_semaphore, #tpu.memory_space<semaphore_mem>>
        %dma_start3A = arith.constant 0 : i32
        %dma_start3A_29 = arith.constant 0 : i32
        %dma_start3A_30 = tpu.memref_slice %arg10[%dma_start3A, %dma_start3A_29] : memref<50000x32xf32, #tpu.memory_space<vmem_shared>> -> memref<50000x32xf32, #tpu.memory_space<vmem_shared>>
        tpu.enqueue_indirect_dma source(%arg19 : memref<16x32xf32, #tpu.memory_space<vmem>>) target(%dma_start3A_30 : memref<50000x32xf32, #tpu.memory_space<vmem_shared>>) offsets(%arg18 : memref<16xi32, #tpu.memory_space<vmem>>) semaphore(%run_scoped3A : memref<!tpu.dma_semaphore, #tpu.memory_space<semaphore_mem>>) {add = true}
        %dma_wait3A = arith.constant 0 : i32
        %dma_wait3A_31 = arith.constant 0 : i32
        %dma_wait3A_32 = tpu.memref_slice %arg10[%dma_wait3A, %dma_wait3A_31] : memref<50000x32xf32, #tpu.memory_space<vmem_shared>> -> memref<50000x32xf32, #tpu.memory_space<vmem_shared>>
        tpu.wait_indirect_dma semaphore(%run_scoped3A : memref<!tpu.dma_semaphore, #tpu.memory_space<semaphore_mem>>) src(%arg19 : memref<16x32xf32, #tpu.memory_space<vmem>>) dst(%dma_wait3A_32 : memref<50000x32xf32, #tpu.memory_space<vmem_shared>>)
        tpu.yield
      }) : () -> ()
    } else {
    }
    %eq3A_5 = arith.constant 1 : i32
    %eq3A_6 = arith.cmpi eq, %arg0, %eq3A_5 : i32
    %convert_element_type3A_7 = arith.extui %eq3A_6 : i1 to i32
    %cond3A_8 = arith.constant 0 : i32
    %cond3A_9 = arith.cmpi ne, %convert_element_type3A_7, %cond3A_8 : i32
    scf.if %cond3A_9 {
      %scan3A = arith.constant 0 : i32
      %scan3A_21 = arith.constant 0 : i32
      %scan3A_22 = arith.constant 390 : i32
      %scan3A_23 = arith.addi %scan3A_21, %scan3A_22 : i32
      %scan3A_24 = arith.constant 1 : i32
      scf.for %scan3A_29 = %scan3A_21 to %scan3A_23 step %scan3A_24  : i32 {
        %mul3A_30 = arith.constant 2 : i32
        %mul3A_31 = arith.muli %mul3A_30, %scan3A_29 : i32
        %mul3A_32 = arith.constant 64 : i32
        %mul3A_33 = arith.muli %mul3A_31, %mul3A_32 : i32
        %add3A_34 = arith.addi %mul3A_2, %mul3A_33 : i32
        %add3A_35 = arith.constant 0 : i32
        %add3A_36 = arith.addi %add3A_34, %add3A_35 : i32
        %dma_start3A = tpu.memref_slice %arg2[%add3A_36] : memref<800000xi32, #tpu.memory_space<hbm>> -> memref<64xi32, #tpu.memory_space<hbm>>
        %dma_start3A_37 = tpu.memref_slice %arg2[%add3A_36] : memref<800000xi32, #tpu.memory_space<hbm>> -> memref<64xi32, #tpu.memory_space<hbm>>
        tpu.enqueue_dma source(%dma_start3A_37 : memref<64xi32, #tpu.memory_space<hbm>>) target(%arg12 : memref<64xi32, #tpu.memory_space<vmem>>) target_semaphore(%arg21 : memref<!tpu.dma_semaphore, #tpu.memory_space<semaphore_mem>>)
        %dma_start3A_38 = arith.constant 32 : i32
        %dma_start3A_39 = tpu.memref_slice %arg3[%add3A_36, %dma_start3A_38] : memref<800000x128xf32, #tpu.memory_space<hbm>> -> memref<64x32xf32, #tpu.memory_space<hbm>>
        %dma_start3A_40 = arith.constant 32 : i32
        %dma_start3A_41 = tpu.memref_slice %arg3[%add3A_36, %dma_start3A_40] : memref<800000x128xf32, #tpu.memory_space<hbm>> -> memref<64x32xf32, #tpu.memory_space<hbm>>
        tpu.enqueue_dma source(%dma_start3A_41 : memref<64x32xf32, #tpu.memory_space<hbm>>) target(%arg14 : memref<64x32xf32, #tpu.memory_space<vmem>>) target_semaphore(%arg21 : memref<!tpu.dma_semaphore, #tpu.memory_space<semaphore_mem>>)
        %add3A_42 = arith.constant 64 : i32
        %add3A_43 = arith.addi %add3A_34, %add3A_42 : i32
        %dma_start3A_44 = tpu.memref_slice %arg2[%add3A_43] : memref<800000xi32, #tpu.memory_space<hbm>> -> memref<64xi32, #tpu.memory_space<hbm>>
        %dma_start3A_45 = tpu.memref_slice %arg2[%add3A_43] : memref<800000xi32, #tpu.memory_space<hbm>> -> memref<64xi32, #tpu.memory_space<hbm>>
        tpu.enqueue_dma source(%dma_start3A_45 : memref<64xi32, #tpu.memory_space<hbm>>) target(%arg13 : memref<64xi32, #tpu.memory_space<vmem>>) target_semaphore(%arg22 : memref<!tpu.dma_semaphore, #tpu.memory_space<semaphore_mem>>)
        %dma_start3A_46 = arith.constant 32 : i32
        %dma_start3A_47 = tpu.memref_slice %arg3[%add3A_43, %dma_start3A_46] : memref<800000x128xf32, #tpu.memory_space<hbm>> -> memref<64x32xf32, #tpu.memory_space<hbm>>
        %dma_start3A_48 = arith.constant 32 : i32
        %dma_start3A_49 = tpu.memref_slice %arg3[%add3A_43, %dma_start3A_48] : memref<800000x128xf32, #tpu.memory_space<hbm>> -> memref<64x32xf32, #tpu.memory_space<hbm>>
        tpu.enqueue_dma source(%dma_start3A_49 : memref<64x32xf32, #tpu.memory_space<hbm>>) target(%arg15 : memref<64x32xf32, #tpu.memory_space<vmem>>) target_semaphore(%arg22 : memref<!tpu.dma_semaphore, #tpu.memory_space<semaphore_mem>>)
        %dma_start3A_50 = arith.constant 64 : i32
        %dma_start3A_51 = tpu.memref_slice %arg3[%add3A_43, %dma_start3A_50] : memref<800000x128xf32, #tpu.memory_space<hbm>> -> memref<64x8xf32, #tpu.memory_space<hbm>>
        %dma_start3A_52 = arith.constant 64 : i32
        %dma_start3A_53 = tpu.memref_slice %arg3[%add3A_43, %dma_start3A_52] : memref<800000x128xf32, #tpu.memory_space<hbm>> -> memref<64x8xf32, #tpu.memory_space<hbm>>
        tpu.enqueue_dma source(%dma_start3A_53 : memref<64x8xf32, #tpu.memory_space<hbm>>) target(%arg17 : memref<64x8xf32, #tpu.memory_space<vmem>>) target_semaphore(%arg22 : memref<!tpu.dma_semaphore, #tpu.memory_space<semaphore_mem>>)
        %dma_wait3A = tpu.memref_slice %arg2[%add3A_36] : memref<800000xi32, #tpu.memory_space<hbm>> -> memref<64xi32, #tpu.memory_space<hbm>>
        %dma_wait3A_54 = tpu.memref_slice %arg2[%add3A_36] : memref<800000xi32, #tpu.memory_space<hbm>> -> memref<64xi32, #tpu.memory_space<hbm>>
        tpu.wait_dma2 semaphore(%arg21 : memref<!tpu.dma_semaphore, #tpu.memory_space<semaphore_mem>>) src(%dma_wait3A_54 : memref<64xi32, #tpu.memory_space<hbm>>) dst(%arg12 : memref<64xi32, #tpu.memory_space<vmem>>)
        %dma_wait3A_55 = arith.constant 32 : i32
        %dma_wait3A_56 = tpu.memref_slice %arg3[%add3A_36, %dma_wait3A_55] : memref<800000x128xf32, #tpu.memory_space<hbm>> -> memref<64x32xf32, #tpu.memory_space<hbm>>
        %dma_wait3A_57 = arith.constant 32 : i32
        %dma_wait3A_58 = tpu.memref_slice %arg3[%add3A_36, %dma_wait3A_57] : memref<800000x128xf32, #tpu.memory_space<hbm>> -> memref<64x32xf32, #tpu.memory_space<hbm>>
        tpu.wait_dma2 semaphore(%arg21 : memref<!tpu.dma_semaphore, #tpu.memory_space<semaphore_mem>>) src(%dma_wait3A_58 : memref<64x32xf32, #tpu.memory_space<hbm>>) dst(%arg14 : memref<64x32xf32, #tpu.memory_space<vmem>>)
        %dma_start3A_59 = arith.constant 0 : i32
        %dma_start3A_60 = arith.constant 0 : i32
        %dma_start3A_61 = tpu.memref_slice %arg10[%dma_start3A_59, %dma_start3A_60] : memref<50000x32xf32, #tpu.memory_space<vmem_shared>> -> memref<50000x32xf32, #tpu.memory_space<vmem_shared>>
        tpu.enqueue_indirect_dma source(%arg14 : memref<64x32xf32, #tpu.memory_space<vmem>>) target(%dma_start3A_61 : memref<50000x32xf32, #tpu.memory_space<vmem_shared>>) offsets(%arg12 : memref<64xi32, #tpu.memory_space<vmem>>) semaphore(%arg21 : memref<!tpu.dma_semaphore, #tpu.memory_space<semaphore_mem>>) {add = true}
        %dma_wait3A_62 = tpu.memref_slice %arg2[%add3A_43] : memref<800000xi32, #tpu.memory_space<hbm>> -> memref<64xi32, #tpu.memory_space<hbm>>
        %dma_wait3A_63 = tpu.memref_slice %arg2[%add3A_43] : memref<800000xi32, #tpu.memory_space<hbm>> -> memref<64xi32, #tpu.memory_space<hbm>>
        tpu.wait_dma2 semaphore(%arg22 : memref<!tpu.dma_semaphore, #tpu.memory_space<semaphore_mem>>) src(%dma_wait3A_63 : memref<64xi32, #tpu.memory_space<hbm>>) dst(%arg13 : memref<64xi32, #tpu.memory_space<vmem>>)
        %dma_wait3A_64 = arith.constant 32 : i32
        %dma_wait3A_65 = tpu.memref_slice %arg3[%add3A_43, %dma_wait3A_64] : memref<800000x128xf32, #tpu.memory_space<hbm>> -> memref<64x32xf32, #tpu.memory_space<hbm>>
        %dma_wait3A_66 = arith.constant 32 : i32
        %dma_wait3A_67 = tpu.memref_slice %arg3[%add3A_43, %dma_wait3A_66] : memref<800000x128xf32, #tpu.memory_space<hbm>> -> memref<64x32xf32, #tpu.memory_space<hbm>>
        tpu.wait_dma2 semaphore(%arg22 : memref<!tpu.dma_semaphore, #tpu.memory_space<semaphore_mem>>) src(%dma_wait3A_67 : memref<64x32xf32, #tpu.memory_space<hbm>>) dst(%arg15 : memref<64x32xf32, #tpu.memory_space<vmem>>)
        %dma_wait3A_68 = arith.constant 64 : i32
        %dma_wait3A_69 = tpu.memref_slice %arg3[%add3A_43, %dma_wait3A_68] : memref<800000x128xf32, #tpu.memory_space<hbm>> -> memref<64x8xf32, #tpu.memory_space<hbm>>
        %dma_wait3A_70 = arith.constant 64 : i32
        %dma_wait3A_71 = tpu.memref_slice %arg3[%add3A_43, %dma_wait3A_70] : memref<800000x128xf32, #tpu.memory_space<hbm>> -> memref<64x8xf32, #tpu.memory_space<hbm>>
        tpu.wait_dma2 semaphore(%arg22 : memref<!tpu.dma_semaphore, #tpu.memory_space<semaphore_mem>>) src(%dma_wait3A_71 : memref<64x8xf32, #tpu.memory_space<hbm>>) dst(%arg17 : memref<64x8xf32, #tpu.memory_space<vmem>>)
        %dma_start3A_72 = arith.constant 0 : i32
        %dma_start3A_73 = arith.constant 0 : i32
        %dma_start3A_74 = tpu.memref_slice %arg10[%dma_start3A_72, %dma_start3A_73] : memref<50000x32xf32, #tpu.memory_space<vmem_shared>> -> memref<50000x32xf32, #tpu.memory_space<vmem_shared>>
        tpu.enqueue_indirect_dma source(%arg15 : memref<64x32xf32, #tpu.memory_space<vmem>>) target(%dma_start3A_74 : memref<50000x32xf32, #tpu.memory_space<vmem_shared>>) offsets(%arg13 : memref<64xi32, #tpu.memory_space<vmem>>) semaphore(%arg22 : memref<!tpu.dma_semaphore, #tpu.memory_space<semaphore_mem>>) {add = true}
        %dma_start3A_75 = arith.constant 0 : i32
        %dma_start3A_76 = arith.constant 0 : i32
        %dma_start3A_77 = tpu.memref_slice %arg11[%dma_start3A_75, %dma_start3A_76] : memref<50000x8xf32, #tpu.memory_space<vmem_shared>> -> memref<50000x8xf32, #tpu.memory_space<vmem_shared>>
        tpu.enqueue_indirect_dma source(%arg17 : memref<64x8xf32, #tpu.memory_space<vmem>>) target(%dma_start3A_77 : memref<50000x8xf32, #tpu.memory_space<vmem_shared>>) offsets(%arg13 : memref<64xi32, #tpu.memory_space<vmem>>) semaphore(%arg22 : memref<!tpu.dma_semaphore, #tpu.memory_space<semaphore_mem>>) {add = true}
        %dma_wait3A_78 = arith.constant 0 : i32
        %dma_wait3A_79 = arith.constant 0 : i32
        %dma_wait3A_80 = tpu.memref_slice %arg10[%dma_wait3A_78, %dma_wait3A_79] : memref<50000x32xf32, #tpu.memory_space<vmem_shared>> -> memref<50000x32xf32, #tpu.memory_space<vmem_shared>>
        tpu.wait_indirect_dma semaphore(%arg21 : memref<!tpu.dma_semaphore, #tpu.memory_space<semaphore_mem>>) src(%arg14 : memref<64x32xf32, #tpu.memory_space<vmem>>) dst(%dma_wait3A_80 : memref<50000x32xf32, #tpu.memory_space<vmem_shared>>)
        %dma_wait3A_81 = arith.constant 0 : i32
        %dma_wait3A_82 = arith.constant 0 : i32
        %dma_wait3A_83 = tpu.memref_slice %arg10[%dma_wait3A_81, %dma_wait3A_82] : memref<50000x32xf32, #tpu.memory_space<vmem_shared>> -> memref<50000x32xf32, #tpu.memory_space<vmem_shared>>
        tpu.wait_indirect_dma semaphore(%arg22 : memref<!tpu.dma_semaphore, #tpu.memory_space<semaphore_mem>>) src(%arg15 : memref<64x32xf32, #tpu.memory_space<vmem>>) dst(%dma_wait3A_83 : memref<50000x32xf32, #tpu.memory_space<vmem_shared>>)
        %dma_wait3A_84 = arith.constant 0 : i32
        %dma_wait3A_85 = arith.constant 0 : i32
        %dma_wait3A_86 = tpu.memref_slice %arg11[%dma_wait3A_84, %dma_wait3A_85] : memref<50000x8xf32, #tpu.memory_space<vmem_shared>> -> memref<50000x8xf32, #tpu.memory_space<vmem_shared>>
        tpu.wait_indirect_dma semaphore(%arg22 : memref<!tpu.dma_semaphore, #tpu.memory_space<semaphore_mem>>) src(%arg17 : memref<64x8xf32, #tpu.memory_space<vmem>>) dst(%dma_wait3A_86 : memref<50000x8xf32, #tpu.memory_space<vmem_shared>>)
      }
      %scan3A_25 = arith.constant 390 : i32
      %add3A = arith.constant 49920 : i32
      %add3A_26 = arith.addi %mul3A_2, %add3A : i32
      "tpu.region"() ({
        %run_scoped3A = tpu.sem_alloc : memref<!tpu.dma_semaphore, #tpu.memory_space<semaphore_mem>>
        %dma_start3A = tpu.memref_slice %arg2[%add3A_26] : memref<800000xi32, #tpu.memory_space<hbm>> -> memref<64xi32, #tpu.memory_space<hbm>>
        %dma_start3A_29 = tpu.memref_slice %arg2[%add3A_26] : memref<800000xi32, #tpu.memory_space<hbm>> -> memref<64xi32, #tpu.memory_space<hbm>>
        tpu.enqueue_dma source(%dma_start3A_29 : memref<64xi32, #tpu.memory_space<hbm>>) target(%arg12 : memref<64xi32, #tpu.memory_space<vmem>>) target_semaphore(%run_scoped3A : memref<!tpu.dma_semaphore, #tpu.memory_space<semaphore_mem>>)
        %dma_wait3A = tpu.memref_slice %arg2[%add3A_26] : memref<800000xi32, #tpu.memory_space<hbm>> -> memref<64xi32, #tpu.memory_space<hbm>>
        %dma_wait3A_30 = tpu.memref_slice %arg2[%add3A_26] : memref<800000xi32, #tpu.memory_space<hbm>> -> memref<64xi32, #tpu.memory_space<hbm>>
        tpu.wait_dma2 semaphore(%run_scoped3A : memref<!tpu.dma_semaphore, #tpu.memory_space<semaphore_mem>>) src(%dma_wait3A_30 : memref<64xi32, #tpu.memory_space<hbm>>) dst(%arg12 : memref<64xi32, #tpu.memory_space<vmem>>)
        tpu.yield
      }) : () -> ()
      "tpu.region"() ({
        %run_scoped3A = tpu.sem_alloc : memref<!tpu.dma_semaphore, #tpu.memory_space<semaphore_mem>>
        %dma_start3A = arith.constant 32 : i32
        %dma_start3A_29 = tpu.memref_slice %arg3[%add3A_26, %dma_start3A] : memref<800000x128xf32, #tpu.memory_space<hbm>> -> memref<64x32xf32, #tpu.memory_space<hbm>>
        %dma_start3A_30 = arith.constant 32 : i32
        %dma_start3A_31 = tpu.memref_slice %arg3[%add3A_26, %dma_start3A_30] : memref<800000x128xf32, #tpu.memory_space<hbm>> -> memref<64x32xf32, #tpu.memory_space<hbm>>
        tpu.enqueue_dma source(%dma_start3A_31 : memref<64x32xf32, #tpu.memory_space<hbm>>) target(%arg14 : memref<64x32xf32, #tpu.memory_space<vmem>>) target_semaphore(%run_scoped3A : memref<!tpu.dma_semaphore, #tpu.memory_space<semaphore_mem>>)
        %dma_wait3A = arith.constant 32 : i32
        %dma_wait3A_32 = tpu.memref_slice %arg3[%add3A_26, %dma_wait3A] : memref<800000x128xf32, #tpu.memory_space<hbm>> -> memref<64x32xf32, #tpu.memory_space<hbm>>
        %dma_wait3A_33 = arith.constant 32 : i32
        %dma_wait3A_34 = tpu.memref_slice %arg3[%add3A_26, %dma_wait3A_33] : memref<800000x128xf32, #tpu.memory_space<hbm>> -> memref<64x32xf32, #tpu.memory_space<hbm>>
        tpu.wait_dma2 semaphore(%run_scoped3A : memref<!tpu.dma_semaphore, #tpu.memory_space<semaphore_mem>>) src(%dma_wait3A_34 : memref<64x32xf32, #tpu.memory_space<hbm>>) dst(%arg14 : memref<64x32xf32, #tpu.memory_space<vmem>>)
        tpu.yield
      }) : () -> ()
      "tpu.region"() ({
        %run_scoped3A = tpu.sem_alloc : memref<!tpu.dma_semaphore, #tpu.memory_space<semaphore_mem>>
        %dma_start3A = arith.constant 0 : i32
        %dma_start3A_29 = arith.constant 0 : i32
        %dma_start3A_30 = tpu.memref_slice %arg10[%dma_start3A, %dma_start3A_29] : memref<50000x32xf32, #tpu.memory_space<vmem_shared>> -> memref<50000x32xf32, #tpu.memory_space<vmem_shared>>
        tpu.enqueue_indirect_dma source(%arg14 : memref<64x32xf32, #tpu.memory_space<vmem>>) target(%dma_start3A_30 : memref<50000x32xf32, #tpu.memory_space<vmem_shared>>) offsets(%arg12 : memref<64xi32, #tpu.memory_space<vmem>>) semaphore(%run_scoped3A : memref<!tpu.dma_semaphore, #tpu.memory_space<semaphore_mem>>) {add = true}
        %dma_wait3A = arith.constant 0 : i32
        %dma_wait3A_31 = arith.constant 0 : i32
        %dma_wait3A_32 = tpu.memref_slice %arg10[%dma_wait3A, %dma_wait3A_31] : memref<50000x32xf32, #tpu.memory_space<vmem_shared>> -> memref<50000x32xf32, #tpu.memory_space<vmem_shared>>
        tpu.wait_indirect_dma semaphore(%run_scoped3A : memref<!tpu.dma_semaphore, #tpu.memory_space<semaphore_mem>>) src(%arg14 : memref<64x32xf32, #tpu.memory_space<vmem>>) dst(%dma_wait3A_32 : memref<50000x32xf32, #tpu.memory_space<vmem_shared>>)
        tpu.yield
      }) : () -> ()
      %add3A_27 = arith.constant 49984 : i32
      %add3A_28 = arith.addi %mul3A_2, %add3A_27 : i32
      "tpu.region"() ({
        %run_scoped3A = tpu.sem_alloc : memref<!tpu.dma_semaphore, #tpu.memory_space<semaphore_mem>>
        %dma_start3A = tpu.memref_slice %arg2[%add3A_28] : memref<800000xi32, #tpu.memory_space<hbm>> -> memref<16xi32, #tpu.memory_space<hbm>>
        %dma_start3A_29 = tpu.memref_slice %arg2[%add3A_28] : memref<800000xi32, #tpu.memory_space<hbm>> -> memref<16xi32, #tpu.memory_space<hbm>>
        tpu.enqueue_dma source(%dma_start3A_29 : memref<16xi32, #tpu.memory_space<hbm>>) target(%arg18 : memref<16xi32, #tpu.memory_space<vmem>>) target_semaphore(%run_scoped3A : memref<!tpu.dma_semaphore, #tpu.memory_space<semaphore_mem>>)
        %dma_wait3A = tpu.memref_slice %arg2[%add3A_28] : memref<800000xi32, #tpu.memory_space<hbm>> -> memref<16xi32, #tpu.memory_space<hbm>>
        %dma_wait3A_30 = tpu.memref_slice %arg2[%add3A_28] : memref<800000xi32, #tpu.memory_space<hbm>> -> memref<16xi32, #tpu.memory_space<hbm>>
        tpu.wait_dma2 semaphore(%run_scoped3A : memref<!tpu.dma_semaphore, #tpu.memory_space<semaphore_mem>>) src(%dma_wait3A_30 : memref<16xi32, #tpu.memory_space<hbm>>) dst(%arg18 : memref<16xi32, #tpu.memory_space<vmem>>)
        tpu.yield
      }) : () -> ()
      "tpu.region"() ({
        %run_scoped3A = tpu.sem_alloc : memref<!tpu.dma_semaphore, #tpu.memory_space<semaphore_mem>>
        %dma_start3A = arith.constant 32 : i32
        %dma_start3A_29 = tpu.memref_slice %arg3[%add3A_28, %dma_start3A] : memref<800000x128xf32, #tpu.memory_space<hbm>> -> memref<16x32xf32, #tpu.memory_space<hbm>>
        %dma_start3A_30 = arith.constant 32 : i32
        %dma_start3A_31 = tpu.memref_slice %arg3[%add3A_28, %dma_start3A_30] : memref<800000x128xf32, #tpu.memory_space<hbm>> -> memref<16x32xf32, #tpu.memory_space<hbm>>
        tpu.enqueue_dma source(%dma_start3A_31 : memref<16x32xf32, #tpu.memory_space<hbm>>) target(%arg19 : memref<16x32xf32, #tpu.memory_space<vmem>>) target_semaphore(%run_scoped3A : memref<!tpu.dma_semaphore, #tpu.memory_space<semaphore_mem>>)
        %dma_wait3A = arith.constant 32 : i32
        %dma_wait3A_32 = tpu.memref_slice %arg3[%add3A_28, %dma_wait3A] : memref<800000x128xf32, #tpu.memory_space<hbm>> -> memref<16x32xf32, #tpu.memory_space<hbm>>
        %dma_wait3A_33 = arith.constant 32 : i32
        %dma_wait3A_34 = tpu.memref_slice %arg3[%add3A_28, %dma_wait3A_33] : memref<800000x128xf32, #tpu.memory_space<hbm>> -> memref<16x32xf32, #tpu.memory_space<hbm>>
        tpu.wait_dma2 semaphore(%run_scoped3A : memref<!tpu.dma_semaphore, #tpu.memory_space<semaphore_mem>>) src(%dma_wait3A_34 : memref<16x32xf32, #tpu.memory_space<hbm>>) dst(%arg19 : memref<16x32xf32, #tpu.memory_space<vmem>>)
        tpu.yield
      }) : () -> ()
      "tpu.region"() ({
        %run_scoped3A = tpu.sem_alloc : memref<!tpu.dma_semaphore, #tpu.memory_space<semaphore_mem>>
        %dma_start3A = arith.constant 0 : i32
        %dma_start3A_29 = arith.constant 0 : i32
        %dma_start3A_30 = tpu.memref_slice %arg10[%dma_start3A, %dma_start3A_29] : memref<50000x32xf32, #tpu.memory_space<vmem_shared>> -> memref<50000x32xf32, #tpu.memory_space<vmem_shared>>
        tpu.enqueue_indirect_dma source(%arg19 : memref<16x32xf32, #tpu.memory_space<vmem>>) target(%dma_start3A_30 : memref<50000x32xf32, #tpu.memory_space<vmem_shared>>) offsets(%arg18 : memref<16xi32, #tpu.memory_space<vmem>>) semaphore(%run_scoped3A : memref<!tpu.dma_semaphore, #tpu.memory_space<semaphore_mem>>) {add = true}
        %dma_wait3A = arith.constant 0 : i32
        %dma_wait3A_31 = arith.constant 0 : i32
        %dma_wait3A_32 = tpu.memref_slice %arg10[%dma_wait3A, %dma_wait3A_31] : memref<50000x32xf32, #tpu.memory_space<vmem_shared>> -> memref<50000x32xf32, #tpu.memory_space<vmem_shared>>
        tpu.wait_indirect_dma semaphore(%run_scoped3A : memref<!tpu.dma_semaphore, #tpu.memory_space<semaphore_mem>>) src(%arg19 : memref<16x32xf32, #tpu.memory_space<vmem>>) dst(%dma_wait3A_32 : memref<50000x32xf32, #tpu.memory_space<vmem_shared>>)
        tpu.yield
      }) : () -> ()
      "tpu.region"() ({
        %run_scoped3A = tpu.sem_alloc : memref<!tpu.dma_semaphore, #tpu.memory_space<semaphore_mem>>
        %dma_start3A = arith.constant 64 : i32
        %dma_start3A_29 = tpu.memref_slice %arg3[%add3A_28, %dma_start3A] : memref<800000x128xf32, #tpu.memory_space<hbm>> -> memref<16x8xf32, #tpu.memory_space<hbm>>
        %dma_start3A_30 = arith.constant 64 : i32
        %dma_start3A_31 = tpu.memref_slice %arg3[%add3A_28, %dma_start3A_30] : memref<800000x128xf32, #tpu.memory_space<hbm>> -> memref<16x8xf32, #tpu.memory_space<hbm>>
        tpu.enqueue_dma source(%dma_start3A_31 : memref<16x8xf32, #tpu.memory_space<hbm>>) target(%arg20 : memref<16x8xf32, #tpu.memory_space<vmem>>) target_semaphore(%run_scoped3A : memref<!tpu.dma_semaphore, #tpu.memory_space<semaphore_mem>>)
        %dma_wait3A = arith.constant 64 : i32
        %dma_wait3A_32 = tpu.memref_slice %arg3[%add3A_28, %dma_wait3A] : memref<800000x128xf32, #tpu.memory_space<hbm>> -> memref<16x8xf32, #tpu.memory_space<hbm>>
        %dma_wait3A_33 = arith.constant 64 : i32
        %dma_wait3A_34 = tpu.memref_slice %arg3[%add3A_28, %dma_wait3A_33] : memref<800000x128xf32, #tpu.memory_space<hbm>> -> memref<16x8xf32, #tpu.memory_space<hbm>>
        tpu.wait_dma2 semaphore(%run_scoped3A : memref<!tpu.dma_semaphore, #tpu.memory_space<semaphore_mem>>) src(%dma_wait3A_34 : memref<16x8xf32, #tpu.memory_space<hbm>>) dst(%arg20 : memref<16x8xf32, #tpu.memory_space<vmem>>)
        tpu.yield
      }) : () -> ()
      "tpu.region"() ({
        %run_scoped3A = tpu.sem_alloc : memref<!tpu.dma_semaphore, #tpu.memory_space<semaphore_mem>>
        %dma_start3A = arith.constant 0 : i32
        %dma_start3A_29 = arith.constant 0 : i32
        %dma_start3A_30 = tpu.memref_slice %arg11[%dma_start3A, %dma_start3A_29] : memref<50000x8xf32, #tpu.memory_space<vmem_shared>> -> memref<50000x8xf32, #tpu.memory_space<vmem_shared>>
        tpu.enqueue_indirect_dma source(%arg20 : memref<16x8xf32, #tpu.memory_space<vmem>>) target(%dma_start3A_30 : memref<50000x8xf32, #tpu.memory_space<vmem_shared>>) offsets(%arg18 : memref<16xi32, #tpu.memory_space<vmem>>) semaphore(%run_scoped3A : memref<!tpu.dma_semaphore, #tpu.memory_space<semaphore_mem>>) {add = true}
        %dma_wait3A = arith.constant 0 : i32
        %dma_wait3A_31 = arith.constant 0 : i32
        %dma_wait3A_32 = tpu.memref_slice %arg11[%dma_wait3A, %dma_wait3A_31] : memref<50000x8xf32, #tpu.memory_space<vmem_shared>> -> memref<50000x8xf32, #tpu.memory_space<vmem_shared>>
        tpu.wait_indirect_dma semaphore(%run_scoped3A : memref<!tpu.dma_semaphore, #tpu.memory_space<semaphore_mem>>) src(%arg20 : memref<16x8xf32, #tpu.memory_space<vmem>>) dst(%dma_wait3A_32 : memref<50000x8xf32, #tpu.memory_space<vmem_shared>>)
        tpu.yield
      }) : () -> ()
    } else {
    }
    %barrier3A_10 = arith.constant 0 : index
    tpu.barrier barrier_id(%barrier3A_10)
    %eq3A_11 = arith.constant 0 : i32
    %eq3A_12 = arith.cmpi eq, %arg0, %eq3A_11 : i32
    %convert_element_type3A_13 = arith.extui %eq3A_12 : i1 to i32
    %cond3A_14 = arith.constant 0 : i32
    %cond3A_15 = arith.cmpi ne, %convert_element_type3A_13, %cond3A_14 : i32
    scf.if %cond3A_15 {
      "tpu.region"() ({
        %run_scoped3A = tpu.sem_alloc : memref<!tpu.dma_semaphore, #tpu.memory_space<semaphore_mem>>
        %dma_start3A = arith.constant 0 : i32
        %dma_start3A_21 = tpu.memref_slice %arg6[%mul3A_0, %dma_start3A] : memref<50000x32xf32, #tpu.memory_space<hbm>> -> memref<3125x32xf32, #tpu.memory_space<hbm>>
        %dma_start3A_22 = arith.constant 0 : i32
        %dma_start3A_23 = tpu.memref_slice %arg10[%mul3A_0, %dma_start3A_22] : memref<50000x32xf32, #tpu.memory_space<vmem_shared>> -> memref<3125x32xf32, #tpu.memory_space<vmem_shared>>
        tpu.enqueue_dma source(%dma_start3A_23 : memref<3125x32xf32, #tpu.memory_space<vmem_shared>>) target(%dma_start3A_21 : memref<3125x32xf32, #tpu.memory_space<hbm>>) target_semaphore(%run_scoped3A : memref<!tpu.dma_semaphore, #tpu.memory_space<semaphore_mem>>)
        %dma_wait3A = arith.constant 0 : i32
        %dma_wait3A_24 = tpu.memref_slice %arg6[%mul3A_0, %dma_wait3A] : memref<50000x32xf32, #tpu.memory_space<hbm>> -> memref<3125x32xf32, #tpu.memory_space<hbm>>
        %dma_wait3A_25 = arith.constant 0 : i32
        %dma_wait3A_26 = tpu.memref_slice %arg10[%mul3A_0, %dma_wait3A_25] : memref<50000x32xf32, #tpu.memory_space<vmem_shared>> -> memref<3125x32xf32, #tpu.memory_space<vmem_shared>>
        tpu.wait_dma2 semaphore(%run_scoped3A : memref<!tpu.dma_semaphore, #tpu.memory_space<semaphore_mem>>) src(%dma_wait3A_26 : memref<3125x32xf32, #tpu.memory_space<vmem_shared>>) dst(%dma_wait3A_24 : memref<3125x32xf32, #tpu.memory_space<hbm>>)
        tpu.yield
      }) : () -> ()
      "tpu.region"() ({
        %run_scoped3A = tpu.sem_alloc : memref<!tpu.dma_semaphore, #tpu.memory_space<semaphore_mem>>
        %dma_start3A = arith.constant 0 : i32
        %dma_start3A_21 = tpu.memref_slice %arg8[%mul3A_0, %dma_start3A] : memref<50000x8xf32, #tpu.memory_space<hbm>> -> memref<3125x8xf32, #tpu.memory_space<hbm>>
        %dma_start3A_22 = arith.constant 0 : i32
        %dma_start3A_23 = tpu.memref_slice %arg11[%mul3A_0, %dma_start3A_22] : memref<50000x8xf32, #tpu.memory_space<vmem_shared>> -> memref<3125x8xf32, #tpu.memory_space<vmem_shared>>
        tpu.enqueue_dma source(%dma_start3A_23 : memref<3125x8xf32, #tpu.memory_space<vmem_shared>>) target(%dma_start3A_21 : memref<3125x8xf32, #tpu.memory_space<hbm>>) target_semaphore(%run_scoped3A : memref<!tpu.dma_semaphore, #tpu.memory_space<semaphore_mem>>)
        %dma_wait3A = arith.constant 0 : i32
        %dma_wait3A_24 = tpu.memref_slice %arg8[%mul3A_0, %dma_wait3A] : memref<50000x8xf32, #tpu.memory_space<hbm>> -> memref<3125x8xf32, #tpu.memory_space<hbm>>
        %dma_wait3A_25 = arith.constant 0 : i32
        %dma_wait3A_26 = tpu.memref_slice %arg11[%mul3A_0, %dma_wait3A_25] : memref<50000x8xf32, #tpu.memory_space<vmem_shared>> -> memref<3125x8xf32, #tpu.memory_space<vmem_shared>>
        tpu.wait_dma2 semaphore(%run_scoped3A : memref<!tpu.dma_semaphore, #tpu.memory_space<semaphore_mem>>) src(%dma_wait3A_26 : memref<3125x8xf32, #tpu.memory_space<vmem_shared>>) dst(%dma_wait3A_24 : memref<3125x8xf32, #tpu.memory_space<hbm>>)
        tpu.yield
      }) : () -> ()
    } else {
    }
    %eq3A_16 = arith.constant 1 : i32
    %eq3A_17 = arith.cmpi eq, %arg0, %eq3A_16 : i32
    %convert_element_type3A_18 = arith.extui %eq3A_17 : i1 to i32
    %cond3A_19 = arith.constant 0 : i32
    %cond3A_20 = arith.cmpi ne, %convert_element_type3A_18, %cond3A_19 : i32
    scf.if %cond3A_20 {
      "tpu.region"() ({
        %run_scoped3A = tpu.sem_alloc : memref<!tpu.dma_semaphore, #tpu.memory_space<semaphore_mem>>
        %dma_start3A = arith.constant 0 : i32
        %dma_start3A_21 = tpu.memref_slice %arg7[%mul3A_0, %dma_start3A] : memref<50000x32xf32, #tpu.memory_space<hbm>> -> memref<3125x32xf32, #tpu.memory_space<hbm>>
        %dma_start3A_22 = arith.constant 0 : i32
        %dma_start3A_23 = tpu.memref_slice %arg10[%mul3A_0, %dma_start3A_22] : memref<50000x32xf32, #tpu.memory_space<vmem_shared>> -> memref<3125x32xf32, #tpu.memory_space<vmem_shared>>
        tpu.enqueue_dma source(%dma_start3A_23 : memref<3125x32xf32, #tpu.memory_space<vmem_shared>>) target(%dma_start3A_21 : memref<3125x32xf32, #tpu.memory_space<hbm>>) target_semaphore(%run_scoped3A : memref<!tpu.dma_semaphore, #tpu.memory_space<semaphore_mem>>)
        %dma_wait3A = arith.constant 0 : i32
        %dma_wait3A_24 = tpu.memref_slice %arg7[%mul3A_0, %dma_wait3A] : memref<50000x32xf32, #tpu.memory_space<hbm>> -> memref<3125x32xf32, #tpu.memory_space<hbm>>
        %dma_wait3A_25 = arith.constant 0 : i32
        %dma_wait3A_26 = tpu.memref_slice %arg10[%mul3A_0, %dma_wait3A_25] : memref<50000x32xf32, #tpu.memory_space<vmem_shared>> -> memref<3125x32xf32, #tpu.memory_space<vmem_shared>>
        tpu.wait_dma2 semaphore(%run_scoped3A : memref<!tpu.dma_semaphore, #tpu.memory_space<semaphore_mem>>) src(%dma_wait3A_26 : memref<3125x32xf32, #tpu.memory_space<vmem_shared>>) dst(%dma_wait3A_24 : memref<3125x32xf32, #tpu.memory_space<hbm>>)
        tpu.yield
      }) : () -> ()
      "tpu.region"() ({
        %run_scoped3A = tpu.sem_alloc : memref<!tpu.dma_semaphore, #tpu.memory_space<semaphore_mem>>
        %dma_start3A = arith.constant 0 : i32
        %dma_start3A_21 = tpu.memref_slice %arg9[%mul3A_0, %dma_start3A] : memref<50000x8xf32, #tpu.memory_space<hbm>> -> memref<3125x8xf32, #tpu.memory_space<hbm>>
        %dma_start3A_22 = arith.constant 0 : i32
        %dma_start3A_23 = tpu.memref_slice %arg11[%mul3A_0, %dma_start3A_22] : memref<50000x8xf32, #tpu.memory_space<vmem_shared>> -> memref<3125x8xf32, #tpu.memory_space<vmem_shared>>
        tpu.enqueue_dma source(%dma_start3A_23 : memref<3125x8xf32, #tpu.memory_space<vmem_shared>>) target(%dma_start3A_21 : memref<3125x8xf32, #tpu.memory_space<hbm>>) target_semaphore(%run_scoped3A : memref<!tpu.dma_semaphore, #tpu.memory_space<semaphore_mem>>)
        %dma_wait3A = arith.constant 0 : i32
        %dma_wait3A_24 = tpu.memref_slice %arg9[%mul3A_0, %dma_wait3A] : memref<50000x8xf32, #tpu.memory_space<hbm>> -> memref<3125x8xf32, #tpu.memory_space<hbm>>
        %dma_wait3A_25 = arith.constant 0 : i32
        %dma_wait3A_26 = tpu.memref_slice %arg11[%mul3A_0, %dma_wait3A_25] : memref<50000x8xf32, #tpu.memory_space<vmem_shared>> -> memref<3125x8xf32, #tpu.memory_space<vmem_shared>>
        tpu.wait_dma2 semaphore(%run_scoped3A : memref<!tpu.dma_semaphore, #tpu.memory_space<semaphore_mem>>) src(%dma_wait3A_26 : memref<3125x8xf32, #tpu.memory_space<vmem_shared>>) dst(%dma_wait3A_24 : memref<3125x8xf32, #tpu.memory_space<hbm>>)
        tpu.yield
      }) : () -> ()
    } else {
    }
    return
  }
}

#map = affine_map<(d0, d1) -> (0, 0)>
#map1 = affine_map<(d0, d1) -> (0)>
module attributes {stable_mosaic.version = 14 : i64} {
  func.func @_gather(%arg0: i32, %arg1: i32, %arg2: memref<50000x64xf32, #tpu.memory_space<hbm>>, %arg3: memref<800000xi32, #tpu.memory_space<hbm>>, %arg4: memref<800000xi32, #tpu.memory_space<hbm>>, %arg5: memref<800000x128xf32, #tpu.memory_space<hbm>>, %arg6: memref<128xi32, #tpu.memory_space<vmem>>, %arg7: memref<128xi32, #tpu.memory_space<vmem>>, %arg8: memref<128xi32, #tpu.memory_space<vmem>>, %arg9: memref<128xi32, #tpu.memory_space<vmem>>, %arg10: memref<128x64xf32, #tpu.memory_space<vmem>>, %arg11: memref<128x64xf32, #tpu.memory_space<vmem>>, %arg12: memref<128x64xf32, #tpu.memory_space<vmem>>, %arg13: memref<128x64xf32, #tpu.memory_space<vmem>>, %arg14: memref<40xi32, #tpu.memory_space<vmem>>, %arg15: memref<40x64xf32, #tpu.memory_space<vmem>>, %arg16: memref<!tpu.dma_semaphore, #tpu.memory_space<semaphore_mem>>, %arg17: memref<!tpu.dma_semaphore, #tpu.memory_space<semaphore_mem>>, %arg18: memref<!tpu.dma_semaphore, #tpu.memory_space<semaphore_mem>>, %arg19: memref<!tpu.dma_semaphore, #tpu.memory_space<semaphore_mem>>) attributes {dimension_semantics = [#tpu.dimension_semantics<core_parallel>, #tpu.dimension_semantics<subcore_parallel>], iteration_bounds = array<i64: 2, 16>, scalar_prefetch = 0 : i64, scratch_operands = 14 : i64, tpu.core_type = #tpu.core_type<sc_vector_subcore>, window_params = [{transform_indices = #map}, {transform_indices = #map1}, {transform_indices = #map1}, {transform_indices = #map}]} {
    %mul3A = arith.constant 2 : i32
    %mul3A_0 = arith.muli %arg1, %mul3A : i32
    %add3A = arith.addi %mul3A_0, %arg0 : i32
    %mul3A_1 = arith.constant 25000 : i32
    %mul3A_2 = arith.muli %add3A, %mul3A_1 : i32
    %scan3A = arith.constant 0 : i32
    %scan3A_3 = arith.constant 0 : i32
    %scan3A_4 = arith.constant 97 : i32
    %scan3A_5 = arith.addi %scan3A_3, %scan3A_4 : i32
    %scan3A_6 = arith.constant 1 : i32
    scf.for %scan3A_58 = %scan3A_3 to %scan3A_5 step %scan3A_6  : i32 {
      %mul3A_59 = arith.constant 2 : i32
      %mul3A_60 = arith.muli %mul3A_59, %scan3A_58 : i32
      %mul3A_61 = arith.constant 128 : i32
      %mul3A_62 = arith.muli %mul3A_60, %mul3A_61 : i32
      %add3A_63 = arith.addi %mul3A_2, %mul3A_62 : i32
      %add3A_64 = arith.constant 0 : i32
      %add3A_65 = arith.addi %add3A_63, %add3A_64 : i32
      %add3A_66 = arith.constant 128 : i32
      %add3A_67 = arith.addi %add3A_63, %add3A_66 : i32
      %add3A_68 = arith.constant 0 : i32
      %add3A_69 = arith.addi %add3A_63, %add3A_68 : i32
      %add3A_70 = arith.constant 128 : i32
      %add3A_71 = arith.addi %add3A_63, %add3A_70 : i32
      %dma_start3A_72 = tpu.memref_slice %arg3[%add3A_65] : memref<800000xi32, #tpu.memory_space<hbm>> -> memref<128xi32, #tpu.memory_space<hbm>>
      %dma_start3A_73 = tpu.memref_slice %arg3[%add3A_65] : memref<800000xi32, #tpu.memory_space<hbm>> -> memref<128xi32, #tpu.memory_space<hbm>>
      tpu.enqueue_dma source(%dma_start3A_73 : memref<128xi32, #tpu.memory_space<hbm>>) target(%arg6 : memref<128xi32, #tpu.memory_space<vmem>>) target_semaphore(%arg16 : memref<!tpu.dma_semaphore, #tpu.memory_space<semaphore_mem>>)
      %dma_start3A_74 = tpu.memref_slice %arg3[%add3A_67] : memref<800000xi32, #tpu.memory_space<hbm>> -> memref<128xi32, #tpu.memory_space<hbm>>
      %dma_start3A_75 = tpu.memref_slice %arg3[%add3A_67] : memref<800000xi32, #tpu.memory_space<hbm>> -> memref<128xi32, #tpu.memory_space<hbm>>
      tpu.enqueue_dma source(%dma_start3A_75 : memref<128xi32, #tpu.memory_space<hbm>>) target(%arg8 : memref<128xi32, #tpu.memory_space<vmem>>) target_semaphore(%arg18 : memref<!tpu.dma_semaphore, #tpu.memory_space<semaphore_mem>>)
      %dma_start3A_76 = tpu.memref_slice %arg4[%add3A_69] : memref<800000xi32, #tpu.memory_space<hbm>> -> memref<128xi32, #tpu.memory_space<hbm>>
      %dma_start3A_77 = tpu.memref_slice %arg4[%add3A_69] : memref<800000xi32, #tpu.memory_space<hbm>> -> memref<128xi32, #tpu.memory_space<hbm>>
      tpu.enqueue_dma source(%dma_start3A_77 : memref<128xi32, #tpu.memory_space<hbm>>) target(%arg7 : memref<128xi32, #tpu.memory_space<vmem>>) target_semaphore(%arg17 : memref<!tpu.dma_semaphore, #tpu.memory_space<semaphore_mem>>)
      %dma_start3A_78 = tpu.memref_slice %arg4[%add3A_71] : memref<800000xi32, #tpu.memory_space<hbm>> -> memref<128xi32, #tpu.memory_space<hbm>>
      %dma_start3A_79 = tpu.memref_slice %arg4[%add3A_71] : memref<800000xi32, #tpu.memory_space<hbm>> -> memref<128xi32, #tpu.memory_space<hbm>>
      tpu.enqueue_dma source(%dma_start3A_79 : memref<128xi32, #tpu.memory_space<hbm>>) target(%arg9 : memref<128xi32, #tpu.memory_space<vmem>>) target_semaphore(%arg19 : memref<!tpu.dma_semaphore, #tpu.memory_space<semaphore_mem>>)
      %dma_wait3A_80 = tpu.memref_slice %arg3[%add3A_65] : memref<800000xi32, #tpu.memory_space<hbm>> -> memref<128xi32, #tpu.memory_space<hbm>>
      %dma_wait3A_81 = tpu.memref_slice %arg3[%add3A_65] : memref<800000xi32, #tpu.memory_space<hbm>> -> memref<128xi32, #tpu.memory_space<hbm>>
      tpu.wait_dma2 semaphore(%arg16 : memref<!tpu.dma_semaphore, #tpu.memory_space<semaphore_mem>>) src(%dma_wait3A_81 : memref<128xi32, #tpu.memory_space<hbm>>) dst(%arg6 : memref<128xi32, #tpu.memory_space<vmem>>)
      %dma_start3A_82 = arith.constant 0 : i32
      %dma_start3A_83 = arith.constant 0 : i32
      %dma_start3A_84 = tpu.memref_slice %arg2[%dma_start3A_82, %dma_start3A_83] : memref<50000x64xf32, #tpu.memory_space<hbm>> -> memref<50000x64xf32, #tpu.memory_space<hbm>>
      tpu.enqueue_indirect_dma source(%dma_start3A_84 : memref<50000x64xf32, #tpu.memory_space<hbm>>) target(%arg10 : memref<128x64xf32, #tpu.memory_space<vmem>>) offsets(%arg6 : memref<128xi32, #tpu.memory_space<vmem>>) semaphore(%arg16 : memref<!tpu.dma_semaphore, #tpu.memory_space<semaphore_mem>>)
      %dma_wait3A_85 = tpu.memref_slice %arg3[%add3A_67] : memref<800000xi32, #tpu.memory_space<hbm>> -> memref<128xi32, #tpu.memory_space<hbm>>
      %dma_wait3A_86 = tpu.memref_slice %arg3[%add3A_67] : memref<800000xi32, #tpu.memory_space<hbm>> -> memref<128xi32, #tpu.memory_space<hbm>>
      tpu.wait_dma2 semaphore(%arg18 : memref<!tpu.dma_semaphore, #tpu.memory_space<semaphore_mem>>) src(%dma_wait3A_86 : memref<128xi32, #tpu.memory_space<hbm>>) dst(%arg8 : memref<128xi32, #tpu.memory_space<vmem>>)
      %dma_start3A_87 = arith.constant 0 : i32
      %dma_start3A_88 = arith.constant 0 : i32
      %dma_start3A_89 = tpu.memref_slice %arg2[%dma_start3A_87, %dma_start3A_88] : memref<50000x64xf32, #tpu.memory_space<hbm>> -> memref<50000x64xf32, #tpu.memory_space<hbm>>
      tpu.enqueue_indirect_dma source(%dma_start3A_89 : memref<50000x64xf32, #tpu.memory_space<hbm>>) target(%arg12 : memref<128x64xf32, #tpu.memory_space<vmem>>) offsets(%arg8 : memref<128xi32, #tpu.memory_space<vmem>>) semaphore(%arg18 : memref<!tpu.dma_semaphore, #tpu.memory_space<semaphore_mem>>)
      %dma_wait3A_90 = tpu.memref_slice %arg4[%add3A_69] : memref<800000xi32, #tpu.memory_space<hbm>> -> memref<128xi32, #tpu.memory_space<hbm>>
      %dma_wait3A_91 = tpu.memref_slice %arg4[%add3A_69] : memref<800000xi32, #tpu.memory_space<hbm>> -> memref<128xi32, #tpu.memory_space<hbm>>
      tpu.wait_dma2 semaphore(%arg17 : memref<!tpu.dma_semaphore, #tpu.memory_space<semaphore_mem>>) src(%dma_wait3A_91 : memref<128xi32, #tpu.memory_space<hbm>>) dst(%arg7 : memref<128xi32, #tpu.memory_space<vmem>>)
      %dma_start3A_92 = arith.constant 0 : i32
      %dma_start3A_93 = arith.constant 0 : i32
      %dma_start3A_94 = tpu.memref_slice %arg2[%dma_start3A_92, %dma_start3A_93] : memref<50000x64xf32, #tpu.memory_space<hbm>> -> memref<50000x64xf32, #tpu.memory_space<hbm>>
      tpu.enqueue_indirect_dma source(%dma_start3A_94 : memref<50000x64xf32, #tpu.memory_space<hbm>>) target(%arg11 : memref<128x64xf32, #tpu.memory_space<vmem>>) offsets(%arg7 : memref<128xi32, #tpu.memory_space<vmem>>) semaphore(%arg17 : memref<!tpu.dma_semaphore, #tpu.memory_space<semaphore_mem>>)
      %dma_wait3A_95 = tpu.memref_slice %arg4[%add3A_71] : memref<800000xi32, #tpu.memory_space<hbm>> -> memref<128xi32, #tpu.memory_space<hbm>>
      %dma_wait3A_96 = tpu.memref_slice %arg4[%add3A_71] : memref<800000xi32, #tpu.memory_space<hbm>> -> memref<128xi32, #tpu.memory_space<hbm>>
      tpu.wait_dma2 semaphore(%arg19 : memref<!tpu.dma_semaphore, #tpu.memory_space<semaphore_mem>>) src(%dma_wait3A_96 : memref<128xi32, #tpu.memory_space<hbm>>) dst(%arg9 : memref<128xi32, #tpu.memory_space<vmem>>)
      %dma_start3A_97 = arith.constant 0 : i32
      %dma_start3A_98 = arith.constant 0 : i32
      %dma_start3A_99 = tpu.memref_slice %arg2[%dma_start3A_97, %dma_start3A_98] : memref<50000x64xf32, #tpu.memory_space<hbm>> -> memref<50000x64xf32, #tpu.memory_space<hbm>>
      tpu.enqueue_indirect_dma source(%dma_start3A_99 : memref<50000x64xf32, #tpu.memory_space<hbm>>) target(%arg13 : memref<128x64xf32, #tpu.memory_space<vmem>>) offsets(%arg9 : memref<128xi32, #tpu.memory_space<vmem>>) semaphore(%arg19 : memref<!tpu.dma_semaphore, #tpu.memory_space<semaphore_mem>>)
      %dma_wait3A_100 = arith.constant 0 : i32
      %dma_wait3A_101 = arith.constant 0 : i32
      %dma_wait3A_102 = tpu.memref_slice %arg2[%dma_wait3A_100, %dma_wait3A_101] : memref<50000x64xf32, #tpu.memory_space<hbm>> -> memref<50000x64xf32, #tpu.memory_space<hbm>>
      tpu.wait_indirect_dma semaphore(%arg16 : memref<!tpu.dma_semaphore, #tpu.memory_space<semaphore_mem>>) src(%dma_wait3A_102 : memref<50000x64xf32, #tpu.memory_space<hbm>>) dst(%arg10 : memref<128x64xf32, #tpu.memory_space<vmem>>)
      %dma_start3A_103 = arith.constant 0 : i32
      %dma_start3A_104 = tpu.memref_slice %arg5[%add3A_65, %dma_start3A_103] : memref<800000x128xf32, #tpu.memory_space<hbm>> -> memref<128x64xf32, #tpu.memory_space<hbm>>
      %dma_start3A_105 = arith.constant 0 : i32
      %dma_start3A_106 = tpu.memref_slice %arg5[%add3A_65, %dma_start3A_105] : memref<800000x128xf32, #tpu.memory_space<hbm>> -> memref<128x64xf32, #tpu.memory_space<hbm>>
      tpu.enqueue_dma source(%arg10 : memref<128x64xf32, #tpu.memory_space<vmem>>) target(%dma_start3A_106 : memref<128x64xf32, #tpu.memory_space<hbm>>) target_semaphore(%arg16 : memref<!tpu.dma_semaphore, #tpu.memory_space<semaphore_mem>>)
      %dma_wait3A_107 = arith.constant 0 : i32
      %dma_wait3A_108 = arith.constant 0 : i32
      %dma_wait3A_109 = tpu.memref_slice %arg2[%dma_wait3A_107, %dma_wait3A_108] : memref<50000x64xf32, #tpu.memory_space<hbm>> -> memref<50000x64xf32, #tpu.memory_space<hbm>>
      tpu.wait_indirect_dma semaphore(%arg18 : memref<!tpu.dma_semaphore, #tpu.memory_space<semaphore_mem>>) src(%dma_wait3A_109 : memref<50000x64xf32, #tpu.memory_space<hbm>>) dst(%arg12 : memref<128x64xf32, #tpu.memory_space<vmem>>)
      %dma_start3A_110 = arith.constant 0 : i32
      %dma_start3A_111 = tpu.memref_slice %arg5[%add3A_67, %dma_start3A_110] : memref<800000x128xf32, #tpu.memory_space<hbm>> -> memref<128x64xf32, #tpu.memory_space<hbm>>
      %dma_start3A_112 = arith.constant 0 : i32
      %dma_start3A_113 = tpu.memref_slice %arg5[%add3A_67, %dma_start3A_112] : memref<800000x128xf32, #tpu.memory_space<hbm>> -> memref<128x64xf32, #tpu.memory_space<hbm>>
      tpu.enqueue_dma source(%arg12 : memref<128x64xf32, #tpu.memory_space<vmem>>) target(%dma_start3A_113 : memref<128x64xf32, #tpu.memory_space<hbm>>) target_semaphore(%arg18 : memref<!tpu.dma_semaphore, #tpu.memory_space<semaphore_mem>>)
      %dma_wait3A_114 = arith.constant 0 : i32
      %dma_wait3A_115 = arith.constant 0 : i32
      %dma_wait3A_116 = tpu.memref_slice %arg2[%dma_wait3A_114, %dma_wait3A_115] : memref<50000x64xf32, #tpu.memory_space<hbm>> -> memref<50000x64xf32, #tpu.memory_space<hbm>>
      tpu.wait_indirect_dma semaphore(%arg17 : memref<!tpu.dma_semaphore, #tpu.memory_space<semaphore_mem>>) src(%dma_wait3A_116 : memref<50000x64xf32, #tpu.memory_space<hbm>>) dst(%arg11 : memref<128x64xf32, #tpu.memory_space<vmem>>)
      %dma_start3A_117 = arith.constant 64 : i32
      %dma_start3A_118 = tpu.memref_slice %arg5[%add3A_69, %dma_start3A_117] : memref<800000x128xf32, #tpu.memory_space<hbm>> -> memref<128x64xf32, #tpu.memory_space<hbm>>
      %dma_start3A_119 = arith.constant 64 : i32
      %dma_start3A_120 = tpu.memref_slice %arg5[%add3A_69, %dma_start3A_119] : memref<800000x128xf32, #tpu.memory_space<hbm>> -> memref<128x64xf32, #tpu.memory_space<hbm>>
      tpu.enqueue_dma source(%arg11 : memref<128x64xf32, #tpu.memory_space<vmem>>) target(%dma_start3A_120 : memref<128x64xf32, #tpu.memory_space<hbm>>) target_semaphore(%arg17 : memref<!tpu.dma_semaphore, #tpu.memory_space<semaphore_mem>>)
      %dma_wait3A_121 = arith.constant 0 : i32
      %dma_wait3A_122 = arith.constant 0 : i32
      %dma_wait3A_123 = tpu.memref_slice %arg2[%dma_wait3A_121, %dma_wait3A_122] : memref<50000x64xf32, #tpu.memory_space<hbm>> -> memref<50000x64xf32, #tpu.memory_space<hbm>>
      tpu.wait_indirect_dma semaphore(%arg19 : memref<!tpu.dma_semaphore, #tpu.memory_space<semaphore_mem>>) src(%dma_wait3A_123 : memref<50000x64xf32, #tpu.memory_space<hbm>>) dst(%arg13 : memref<128x64xf32, #tpu.memory_space<vmem>>)
      %dma_start3A_124 = arith.constant 64 : i32
      %dma_start3A_125 = tpu.memref_slice %arg5[%add3A_71, %dma_start3A_124] : memref<800000x128xf32, #tpu.memory_space<hbm>> -> memref<128x64xf32, #tpu.memory_space<hbm>>
      %dma_start3A_126 = arith.constant 64 : i32
      %dma_start3A_127 = tpu.memref_slice %arg5[%add3A_71, %dma_start3A_126] : memref<800000x128xf32, #tpu.memory_space<hbm>> -> memref<128x64xf32, #tpu.memory_space<hbm>>
      tpu.enqueue_dma source(%arg13 : memref<128x64xf32, #tpu.memory_space<vmem>>) target(%dma_start3A_127 : memref<128x64xf32, #tpu.memory_space<hbm>>) target_semaphore(%arg19 : memref<!tpu.dma_semaphore, #tpu.memory_space<semaphore_mem>>)
      %dma_wait3A_128 = arith.constant 0 : i32
      %dma_wait3A_129 = tpu.memref_slice %arg5[%add3A_65, %dma_wait3A_128] : memref<800000x128xf32, #tpu.memory_space<hbm>> -> memref<128x64xf32, #tpu.memory_space<hbm>>
      %dma_wait3A_130 = arith.constant 0 : i32
      %dma_wait3A_131 = tpu.memref_slice %arg5[%add3A_65, %dma_wait3A_130] : memref<800000x128xf32, #tpu.memory_space<hbm>> -> memref<128x64xf32, #tpu.memory_space<hbm>>
      tpu.wait_dma2 semaphore(%arg16 : memref<!tpu.dma_semaphore, #tpu.memory_space<semaphore_mem>>) src(%arg10 : memref<128x64xf32, #tpu.memory_space<vmem>>) dst(%dma_wait3A_131 : memref<128x64xf32, #tpu.memory_space<hbm>>)
      %dma_wait3A_132 = arith.constant 0 : i32
      %dma_wait3A_133 = tpu.memref_slice %arg5[%add3A_67, %dma_wait3A_132] : memref<800000x128xf32, #tpu.memory_space<hbm>> -> memref<128x64xf32, #tpu.memory_space<hbm>>
      %dma_wait3A_134 = arith.constant 0 : i32
      %dma_wait3A_135 = tpu.memref_slice %arg5[%add3A_67, %dma_wait3A_134] : memref<800000x128xf32, #tpu.memory_space<hbm>> -> memref<128x64xf32, #tpu.memory_space<hbm>>
      tpu.wait_dma2 semaphore(%arg18 : memref<!tpu.dma_semaphore, #tpu.memory_space<semaphore_mem>>) src(%arg12 : memref<128x64xf32, #tpu.memory_space<vmem>>) dst(%dma_wait3A_135 : memref<128x64xf32, #tpu.memory_space<hbm>>)
      %dma_wait3A_136 = arith.constant 64 : i32
      %dma_wait3A_137 = tpu.memref_slice %arg5[%add3A_69, %dma_wait3A_136] : memref<800000x128xf32, #tpu.memory_space<hbm>> -> memref<128x64xf32, #tpu.memory_space<hbm>>
      %dma_wait3A_138 = arith.constant 64 : i32
      %dma_wait3A_139 = tpu.memref_slice %arg5[%add3A_69, %dma_wait3A_138] : memref<800000x128xf32, #tpu.memory_space<hbm>> -> memref<128x64xf32, #tpu.memory_space<hbm>>
      tpu.wait_dma2 semaphore(%arg17 : memref<!tpu.dma_semaphore, #tpu.memory_space<semaphore_mem>>) src(%arg11 : memref<128x64xf32, #tpu.memory_space<vmem>>) dst(%dma_wait3A_139 : memref<128x64xf32, #tpu.memory_space<hbm>>)
      %dma_wait3A_140 = arith.constant 64 : i32
      %dma_wait3A_141 = tpu.memref_slice %arg5[%add3A_71, %dma_wait3A_140] : memref<800000x128xf32, #tpu.memory_space<hbm>> -> memref<128x64xf32, #tpu.memory_space<hbm>>
      %dma_wait3A_142 = arith.constant 64 : i32
      %dma_wait3A_143 = tpu.memref_slice %arg5[%add3A_71, %dma_wait3A_142] : memref<800000x128xf32, #tpu.memory_space<hbm>> -> memref<128x64xf32, #tpu.memory_space<hbm>>
      tpu.wait_dma2 semaphore(%arg19 : memref<!tpu.dma_semaphore, #tpu.memory_space<semaphore_mem>>) src(%arg13 : memref<128x64xf32, #tpu.memory_space<vmem>>) dst(%dma_wait3A_143 : memref<128x64xf32, #tpu.memory_space<hbm>>)
    }
    %scan3A_7 = arith.constant 97 : i32
    %add3A_8 = arith.constant 24832 : i32
    %add3A_9 = arith.addi %mul3A_2, %add3A_8 : i32
    %dma_start3A = tpu.memref_slice %arg3[%add3A_9] : memref<800000xi32, #tpu.memory_space<hbm>> -> memref<128xi32, #tpu.memory_space<hbm>>
    %dma_start3A_10 = tpu.memref_slice %arg3[%add3A_9] : memref<800000xi32, #tpu.memory_space<hbm>> -> memref<128xi32, #tpu.memory_space<hbm>>
    tpu.enqueue_dma source(%dma_start3A_10 : memref<128xi32, #tpu.memory_space<hbm>>) target(%arg6 : memref<128xi32, #tpu.memory_space<vmem>>) target_semaphore(%arg16 : memref<!tpu.dma_semaphore, #tpu.memory_space<semaphore_mem>>)
    %dma_start3A_11 = tpu.memref_slice %arg4[%add3A_9] : memref<800000xi32, #tpu.memory_space<hbm>> -> memref<128xi32, #tpu.memory_space<hbm>>
    %dma_start3A_12 = tpu.memref_slice %arg4[%add3A_9] : memref<800000xi32, #tpu.memory_space<hbm>> -> memref<128xi32, #tpu.memory_space<hbm>>
    tpu.enqueue_dma source(%dma_start3A_12 : memref<128xi32, #tpu.memory_space<hbm>>) target(%arg7 : memref<128xi32, #tpu.memory_space<vmem>>) target_semaphore(%arg17 : memref<!tpu.dma_semaphore, #tpu.memory_space<semaphore_mem>>)
    %dma_wait3A = tpu.memref_slice %arg3[%add3A_9] : memref<800000xi32, #tpu.memory_space<hbm>> -> memref<128xi32, #tpu.memory_space<hbm>>
    %dma_wait3A_13 = tpu.memref_slice %arg3[%add3A_9] : memref<800000xi32, #tpu.memory_space<hbm>> -> memref<128xi32, #tpu.memory_space<hbm>>
    tpu.wait_dma2 semaphore(%arg16 : memref<!tpu.dma_semaphore, #tpu.memory_space<semaphore_mem>>) src(%dma_wait3A_13 : memref<128xi32, #tpu.memory_space<hbm>>) dst(%arg6 : memref<128xi32, #tpu.memory_space<vmem>>)
    %dma_start3A_14 = arith.constant 0 : i32
    %dma_start3A_15 = arith.constant 0 : i32
    %dma_start3A_16 = tpu.memref_slice %arg2[%dma_start3A_14, %dma_start3A_15] : memref<50000x64xf32, #tpu.memory_space<hbm>> -> memref<50000x64xf32, #tpu.memory_space<hbm>>
    tpu.enqueue_indirect_dma source(%dma_start3A_16 : memref<50000x64xf32, #tpu.memory_space<hbm>>) target(%arg10 : memref<128x64xf32, #tpu.memory_space<vmem>>) offsets(%arg6 : memref<128xi32, #tpu.memory_space<vmem>>) semaphore(%arg16 : memref<!tpu.dma_semaphore, #tpu.memory_space<semaphore_mem>>)
    %dma_wait3A_17 = tpu.memref_slice %arg4[%add3A_9] : memref<800000xi32, #tpu.memory_space<hbm>> -> memref<128xi32, #tpu.memory_space<hbm>>
    %dma_wait3A_18 = tpu.memref_slice %arg4[%add3A_9] : memref<800000xi32, #tpu.memory_space<hbm>> -> memref<128xi32, #tpu.memory_space<hbm>>
    tpu.wait_dma2 semaphore(%arg17 : memref<!tpu.dma_semaphore, #tpu.memory_space<semaphore_mem>>) src(%dma_wait3A_18 : memref<128xi32, #tpu.memory_space<hbm>>) dst(%arg7 : memref<128xi32, #tpu.memory_space<vmem>>)
    %dma_start3A_19 = arith.constant 0 : i32
    %dma_start3A_20 = arith.constant 0 : i32
    %dma_start3A_21 = tpu.memref_slice %arg2[%dma_start3A_19, %dma_start3A_20] : memref<50000x64xf32, #tpu.memory_space<hbm>> -> memref<50000x64xf32, #tpu.memory_space<hbm>>
    tpu.enqueue_indirect_dma source(%dma_start3A_21 : memref<50000x64xf32, #tpu.memory_space<hbm>>) target(%arg11 : memref<128x64xf32, #tpu.memory_space<vmem>>) offsets(%arg7 : memref<128xi32, #tpu.memory_space<vmem>>) semaphore(%arg17 : memref<!tpu.dma_semaphore, #tpu.memory_space<semaphore_mem>>)
    %dma_wait3A_22 = arith.constant 0 : i32
    %dma_wait3A_23 = arith.constant 0 : i32
    %dma_wait3A_24 = tpu.memref_slice %arg2[%dma_wait3A_22, %dma_wait3A_23] : memref<50000x64xf32, #tpu.memory_space<hbm>> -> memref<50000x64xf32, #tpu.memory_space<hbm>>
    tpu.wait_indirect_dma semaphore(%arg16 : memref<!tpu.dma_semaphore, #tpu.memory_space<semaphore_mem>>) src(%dma_wait3A_24 : memref<50000x64xf32, #tpu.memory_space<hbm>>) dst(%arg10 : memref<128x64xf32, #tpu.memory_space<vmem>>)
    %dma_start3A_25 = arith.constant 0 : i32
    %dma_start3A_26 = tpu.memref_slice %arg5[%add3A_9, %dma_start3A_25] : memref<800000x128xf32, #tpu.memory_space<hbm>> -> memref<128x64xf32, #tpu.memory_space<hbm>>
    %dma_start3A_27 = arith.constant 0 : i32
    %dma_start3A_28 = tpu.memref_slice %arg5[%add3A_9, %dma_start3A_27] : memref<800000x128xf32, #tpu.memory_space<hbm>> -> memref<128x64xf32, #tpu.memory_space<hbm>>
    tpu.enqueue_dma source(%arg10 : memref<128x64xf32, #tpu.memory_space<vmem>>) target(%dma_start3A_28 : memref<128x64xf32, #tpu.memory_space<hbm>>) target_semaphore(%arg16 : memref<!tpu.dma_semaphore, #tpu.memory_space<semaphore_mem>>)
    %dma_wait3A_29 = arith.constant 0 : i32
    %dma_wait3A_30 = arith.constant 0 : i32
    %dma_wait3A_31 = tpu.memref_slice %arg2[%dma_wait3A_29, %dma_wait3A_30] : memref<50000x64xf32, #tpu.memory_space<hbm>> -> memref<50000x64xf32, #tpu.memory_space<hbm>>
    tpu.wait_indirect_dma semaphore(%arg17 : memref<!tpu.dma_semaphore, #tpu.memory_space<semaphore_mem>>) src(%dma_wait3A_31 : memref<50000x64xf32, #tpu.memory_space<hbm>>) dst(%arg11 : memref<128x64xf32, #tpu.memory_space<vmem>>)
    %dma_start3A_32 = arith.constant 64 : i32
    %dma_start3A_33 = tpu.memref_slice %arg5[%add3A_9, %dma_start3A_32] : memref<800000x128xf32, #tpu.memory_space<hbm>> -> memref<128x64xf32, #tpu.memory_space<hbm>>
    %dma_start3A_34 = arith.constant 64 : i32
    %dma_start3A_35 = tpu.memref_slice %arg5[%add3A_9, %dma_start3A_34] : memref<800000x128xf32, #tpu.memory_space<hbm>> -> memref<128x64xf32, #tpu.memory_space<hbm>>
    tpu.enqueue_dma source(%arg11 : memref<128x64xf32, #tpu.memory_space<vmem>>) target(%dma_start3A_35 : memref<128x64xf32, #tpu.memory_space<hbm>>) target_semaphore(%arg17 : memref<!tpu.dma_semaphore, #tpu.memory_space<semaphore_mem>>)
    %dma_wait3A_36 = arith.constant 0 : i32
    %dma_wait3A_37 = tpu.memref_slice %arg5[%add3A_9, %dma_wait3A_36] : memref<800000x128xf32, #tpu.memory_space<hbm>> -> memref<128x64xf32, #tpu.memory_space<hbm>>
    %dma_wait3A_38 = arith.constant 0 : i32
    %dma_wait3A_39 = tpu.memref_slice %arg5[%add3A_9, %dma_wait3A_38] : memref<800000x128xf32, #tpu.memory_space<hbm>> -> memref<128x64xf32, #tpu.memory_space<hbm>>
    tpu.wait_dma2 semaphore(%arg16 : memref<!tpu.dma_semaphore, #tpu.memory_space<semaphore_mem>>) src(%arg10 : memref<128x64xf32, #tpu.memory_space<vmem>>) dst(%dma_wait3A_39 : memref<128x64xf32, #tpu.memory_space<hbm>>)
    %dma_wait3A_40 = arith.constant 64 : i32
    %dma_wait3A_41 = tpu.memref_slice %arg5[%add3A_9, %dma_wait3A_40] : memref<800000x128xf32, #tpu.memory_space<hbm>> -> memref<128x64xf32, #tpu.memory_space<hbm>>
    %dma_wait3A_42 = arith.constant 64 : i32
    %dma_wait3A_43 = tpu.memref_slice %arg5[%add3A_9, %dma_wait3A_42] : memref<800000x128xf32, #tpu.memory_space<hbm>> -> memref<128x64xf32, #tpu.memory_space<hbm>>
    tpu.wait_dma2 semaphore(%arg17 : memref<!tpu.dma_semaphore, #tpu.memory_space<semaphore_mem>>) src(%arg11 : memref<128x64xf32, #tpu.memory_space<vmem>>) dst(%dma_wait3A_43 : memref<128x64xf32, #tpu.memory_space<hbm>>)
    %add3A_44 = arith.constant 24960 : i32
    %add3A_45 = arith.addi %mul3A_2, %add3A_44 : i32
    "tpu.region"() ({
      %run_scoped3A = tpu.sem_alloc : memref<!tpu.dma_semaphore, #tpu.memory_space<semaphore_mem>>
      %dma_start3A_58 = tpu.memref_slice %arg3[%add3A_45] : memref<800000xi32, #tpu.memory_space<hbm>> -> memref<40xi32, #tpu.memory_space<hbm>>
      %dma_start3A_59 = tpu.memref_slice %arg3[%add3A_45] : memref<800000xi32, #tpu.memory_space<hbm>> -> memref<40xi32, #tpu.memory_space<hbm>>
      tpu.enqueue_dma source(%dma_start3A_59 : memref<40xi32, #tpu.memory_space<hbm>>) target(%arg14 : memref<40xi32, #tpu.memory_space<vmem>>) target_semaphore(%run_scoped3A : memref<!tpu.dma_semaphore, #tpu.memory_space<semaphore_mem>>)
      %dma_wait3A_60 = tpu.memref_slice %arg3[%add3A_45] : memref<800000xi32, #tpu.memory_space<hbm>> -> memref<40xi32, #tpu.memory_space<hbm>>
      %dma_wait3A_61 = tpu.memref_slice %arg3[%add3A_45] : memref<800000xi32, #tpu.memory_space<hbm>> -> memref<40xi32, #tpu.memory_space<hbm>>
      tpu.wait_dma2 semaphore(%run_scoped3A : memref<!tpu.dma_semaphore, #tpu.memory_space<semaphore_mem>>) src(%dma_wait3A_61 : memref<40xi32, #tpu.memory_space<hbm>>) dst(%arg14 : memref<40xi32, #tpu.memory_space<vmem>>)
      tpu.yield
    }) : () -> ()
    %dma_start3A_46 = arith.constant 0 : i32
    %dma_start3A_47 = arith.constant 0 : i32
    %dma_start3A_48 = tpu.memref_slice %arg2[%dma_start3A_46, %dma_start3A_47] : memref<50000x64xf32, #tpu.memory_space<hbm>> -> memref<50000x64xf32, #tpu.memory_space<hbm>>
    tpu.enqueue_indirect_dma source(%dma_start3A_48 : memref<50000x64xf32, #tpu.memory_space<hbm>>) target(%arg15 : memref<40x64xf32, #tpu.memory_space<vmem>>) offsets(%arg14 : memref<40xi32, #tpu.memory_space<vmem>>) semaphore(%arg16 : memref<!tpu.dma_semaphore, #tpu.memory_space<semaphore_mem>>)
    %dma_wait3A_49 = arith.constant 0 : i32
    %dma_wait3A_50 = arith.constant 0 : i32
    %dma_wait3A_51 = tpu.memref_slice %arg2[%dma_wait3A_49, %dma_wait3A_50] : memref<50000x64xf32, #tpu.memory_space<hbm>> -> memref<50000x64xf32, #tpu.memory_space<hbm>>
    tpu.wait_indirect_dma semaphore(%arg16 : memref<!tpu.dma_semaphore, #tpu.memory_space<semaphore_mem>>) src(%dma_wait3A_51 : memref<50000x64xf32, #tpu.memory_space<hbm>>) dst(%arg15 : memref<40x64xf32, #tpu.memory_space<vmem>>)
    "tpu.region"() ({
      %run_scoped3A = tpu.sem_alloc : memref<!tpu.dma_semaphore, #tpu.memory_space<semaphore_mem>>
      %dma_start3A_58 = arith.constant 0 : i32
      %dma_start3A_59 = tpu.memref_slice %arg5[%add3A_45, %dma_start3A_58] : memref<800000x128xf32, #tpu.memory_space<hbm>> -> memref<40x64xf32, #tpu.memory_space<hbm>>
      %dma_start3A_60 = arith.constant 0 : i32
      %dma_start3A_61 = tpu.memref_slice %arg5[%add3A_45, %dma_start3A_60] : memref<800000x128xf32, #tpu.memory_space<hbm>> -> memref<40x64xf32, #tpu.memory_space<hbm>>
      tpu.enqueue_dma source(%arg15 : memref<40x64xf32, #tpu.memory_space<vmem>>) target(%dma_start3A_61 : memref<40x64xf32, #tpu.memory_space<hbm>>) target_semaphore(%run_scoped3A : memref<!tpu.dma_semaphore, #tpu.memory_space<semaphore_mem>>)
      %dma_wait3A_62 = arith.constant 0 : i32
      %dma_wait3A_63 = tpu.memref_slice %arg5[%add3A_45, %dma_wait3A_62] : memref<800000x128xf32, #tpu.memory_space<hbm>> -> memref<40x64xf32, #tpu.memory_space<hbm>>
      %dma_wait3A_64 = arith.constant 0 : i32
      %dma_wait3A_65 = tpu.memref_slice %arg5[%add3A_45, %dma_wait3A_64] : memref<800000x128xf32, #tpu.memory_space<hbm>> -> memref<40x64xf32, #tpu.memory_space<hbm>>
      tpu.wait_dma2 semaphore(%run_scoped3A : memref<!tpu.dma_semaphore, #tpu.memory_space<semaphore_mem>>) src(%arg15 : memref<40x64xf32, #tpu.memory_space<vmem>>) dst(%dma_wait3A_65 : memref<40x64xf32, #tpu.memory_space<hbm>>)
      tpu.yield
    }) : () -> ()
    "tpu.region"() ({
      %run_scoped3A = tpu.sem_alloc : memref<!tpu.dma_semaphore, #tpu.memory_space<semaphore_mem>>
      %dma_start3A_58 = tpu.memref_slice %arg4[%add3A_45] : memref<800000xi32, #tpu.memory_space<hbm>> -> memref<40xi32, #tpu.memory_space<hbm>>
      %dma_start3A_59 = tpu.memref_slice %arg4[%add3A_45] : memref<800000xi32, #tpu.memory_space<hbm>> -> memref<40xi32, #tpu.memory_space<hbm>>
      tpu.enqueue_dma source(%dma_start3A_59 : memref<40xi32, #tpu.memory_space<hbm>>) target(%arg14 : memref<40xi32, #tpu.memory_space<vmem>>) target_semaphore(%run_scoped3A : memref<!tpu.dma_semaphore, #tpu.memory_space<semaphore_mem>>)
      %dma_wait3A_60 = tpu.memref_slice %arg4[%add3A_45] : memref<800000xi32, #tpu.memory_space<hbm>> -> memref<40xi32, #tpu.memory_space<hbm>>
      %dma_wait3A_61 = tpu.memref_slice %arg4[%add3A_45] : memref<800000xi32, #tpu.memory_space<hbm>> -> memref<40xi32, #tpu.memory_space<hbm>>
      tpu.wait_dma2 semaphore(%run_scoped3A : memref<!tpu.dma_semaphore, #tpu.memory_space<semaphore_mem>>) src(%dma_wait3A_61 : memref<40xi32, #tpu.memory_space<hbm>>) dst(%arg14 : memref<40xi32, #tpu.memory_space<vmem>>)
      tpu.yield
    }) : () -> ()
    %dma_start3A_52 = arith.constant 0 : i32
    %dma_start3A_53 = arith.constant 0 : i32
    %dma_start3A_54 = tpu.memref_slice %arg2[%dma_start3A_52, %dma_start3A_53] : memref<50000x64xf32, #tpu.memory_space<hbm>> -> memref<50000x64xf32, #tpu.memory_space<hbm>>
    tpu.enqueue_indirect_dma source(%dma_start3A_54 : memref<50000x64xf32, #tpu.memory_space<hbm>>) target(%arg15 : memref<40x64xf32, #tpu.memory_space<vmem>>) offsets(%arg14 : memref<40xi32, #tpu.memory_space<vmem>>) semaphore(%arg16 : memref<!tpu.dma_semaphore, #tpu.memory_space<semaphore_mem>>)
    %dma_wait3A_55 = arith.constant 0 : i32
    %dma_wait3A_56 = arith.constant 0 : i32
    %dma_wait3A_57 = tpu.memref_slice %arg2[%dma_wait3A_55, %dma_wait3A_56] : memref<50000x64xf32, #tpu.memory_space<hbm>> -> memref<50000x64xf32, #tpu.memory_space<hbm>>
    tpu.wait_indirect_dma semaphore(%arg16 : memref<!tpu.dma_semaphore, #tpu.memory_space<semaphore_mem>>) src(%dma_wait3A_57 : memref<50000x64xf32, #tpu.memory_space<hbm>>) dst(%arg15 : memref<40x64xf32, #tpu.memory_space<vmem>>)
    "tpu.region"() ({
      %run_scoped3A = tpu.sem_alloc : memref<!tpu.dma_semaphore, #tpu.memory_space<semaphore_mem>>
      %dma_start3A_58 = arith.constant 64 : i32
      %dma_start3A_59 = tpu.memref_slice %arg5[%add3A_45, %dma_start3A_58] : memref<800000x128xf32, #tpu.memory_space<hbm>> -> memref<40x64xf32, #tpu.memory_space<hbm>>
      %dma_start3A_60 = arith.constant 64 : i32
      %dma_start3A_61 = tpu.memref_slice %arg5[%add3A_45, %dma_start3A_60] : memref<800000x128xf32, #tpu.memory_space<hbm>> -> memref<40x64xf32, #tpu.memory_space<hbm>>
      tpu.enqueue_dma source(%arg15 : memref<40x64xf32, #tpu.memory_space<vmem>>) target(%dma_start3A_61 : memref<40x64xf32, #tpu.memory_space<hbm>>) target_semaphore(%run_scoped3A : memref<!tpu.dma_semaphore, #tpu.memory_space<semaphore_mem>>)
      %dma_wait3A_62 = arith.constant 64 : i32
      %dma_wait3A_63 = tpu.memref_slice %arg5[%add3A_45, %dma_wait3A_62] : memref<800000x128xf32, #tpu.memory_space<hbm>> -> memref<40x64xf32, #tpu.memory_space<hbm>>
      %dma_wait3A_64 = arith.constant 64 : i32
      %dma_wait3A_65 = tpu.memref_slice %arg5[%add3A_45, %dma_wait3A_64] : memref<800000x128xf32, #tpu.memory_space<hbm>> -> memref<40x64xf32, #tpu.memory_space<hbm>>
      tpu.wait_dma2 semaphore(%run_scoped3A : memref<!tpu.dma_semaphore, #tpu.memory_space<semaphore_mem>>) src(%arg15 : memref<40x64xf32, #tpu.memory_space<vmem>>) dst(%dma_wait3A_65 : memref<40x64xf32, #tpu.memory_space<hbm>>)
      tpu.yield
    }) : () -> ()
    return
  }
}

module attributes {stable_mosaic.version = 14 : i64} {
  func.func @_dense_body(%arg0: i32, %arg1: memref<4000x128xf32, #tpu.memory_space<vmem>>, %arg2: memref<4000x8xf32, #tpu.memory_space<vmem>>, %arg3: memref<4000x16xf32, #tpu.memory_space<vmem>>, %arg4: memref<128x64xf32, #tpu.memory_space<vmem>>, %arg5: memref<128x64xf32, #tpu.memory_space<vmem>>, %arg6: memref<128x64xf32, #tpu.memory_space<vmem>>, %arg7: memref<16x64xf32, #tpu.memory_space<vmem>>, %arg8: memref<1x64xf32, #tpu.memory_space<vmem>>, %arg9: memref<1x64xf32, #tpu.memory_space<vmem>>, %arg10: memref<1x64xf32, #tpu.memory_space<vmem>>, %arg11: memref<1x64xf32, #tpu.memory_space<vmem>>, %arg12: memref<64x64xf32, #tpu.memory_space<vmem>>, %arg13: memref<64x64xf32, #tpu.memory_space<vmem>>, %arg14: memref<128x128xf32, #tpu.memory_space<vmem>>, %arg15: memref<128x128xf32, #tpu.memory_space<vmem>>, %arg16: memref<8x128xf32, #tpu.memory_space<vmem>>, %arg17: memref<8x128xf32, #tpu.memory_space<vmem>>, %arg18: memref<8x64xf32, #tpu.memory_space<vmem>>, %arg19: memref<8x64xf32, #tpu.memory_space<vmem>>, %arg20: memref<1x64xf32, #tpu.memory_space<vmem>>, %arg21: memref<1x128xf32, #tpu.memory_space<vmem>>, %arg22: memref<4000x128xf32, #tpu.memory_space<vmem>>) attributes {dimension_semantics = [#tpu.dimension_semantics<arbitrary>], iteration_bounds = array<i64: 200>, scalar_prefetch = 0 : i64, scratch_operands = 0 : i64, tpu.core_type = #tpu.core_type<tc>, window_params = [{transform_indices = @transform_0, window_bounds = array<i64: 4000, 128>}, {transform_indices = @transform_1, window_bounds = array<i64: 4000, 8>}, {transform_indices = @transform_2, window_bounds = array<i64: 4000, 16>}, {pipeline_mode = #tpu.pipeline_mode<synchronous>, transform_indices = @transform_3, window_bounds = array<i64: 128, 64>}, {pipeline_mode = #tpu.pipeline_mode<synchronous>, transform_indices = @transform_4, window_bounds = array<i64: 128, 64>}, {pipeline_mode = #tpu.pipeline_mode<synchronous>, transform_indices = @transform_5, window_bounds = array<i64: 128, 64>}, {pipeline_mode = #tpu.pipeline_mode<synchronous>, transform_indices = @transform_6, window_bounds = array<i64: 16, 64>}, {pipeline_mode = #tpu.pipeline_mode<synchronous>, transform_indices = @transform_7, window_bounds = array<i64: 1, 64>}, {pipeline_mode = #tpu.pipeline_mode<synchronous>, transform_indices = @transform_8, window_bounds = array<i64: 1, 64>}, {pipeline_mode = #tpu.pipeline_mode<synchronous>, transform_indices = @transform_9, window_bounds = array<i64: 1, 64>}, {pipeline_mode = #tpu.pipeline_mode<synchronous>, transform_indices = @transform_10, window_bounds = array<i64: 1, 64>}, {pipeline_mode = #tpu.pipeline_mode<synchronous>, transform_indices = @transform_11, window_bounds = array<i64: 64, 64>}, {pipeline_mode = #tpu.pipeline_mode<synchronous>, transform_indices = @transform_12, window_bounds = array<i64: 64, 64>}, {pipeline_mode = #tpu.pipeline_mode<synchronous>, transform_indices = @transform_13, window_bounds = array<i64: 128, 128>}, {pipeline_mode = #tpu.pipeline_mode<synchronous>, transform_indices = @transform_14, window_bounds = array<i64: 128, 128>}, {pipeline_mode = #tpu.pipeline_mode<synchronous>, transform_indices = @transform_15, window_bounds = array<i64: 8, 128>}, {pipeline_mode = #tpu.pipeline_mode<synchronous>, transform_indices = @transform_16, window_bounds = array<i64: 8, 128>}, {pipeline_mode = #tpu.pipeline_mode<synchronous>, transform_indices = @transform_17, window_bounds = array<i64: 8, 64>}, {pipeline_mode = #tpu.pipeline_mode<synchronous>, transform_indices = @transform_18, window_bounds = array<i64: 8, 64>}, {pipeline_mode = #tpu.pipeline_mode<synchronous>, transform_indices = @transform_19, window_bounds = array<i64: 1, 64>}, {pipeline_mode = #tpu.pipeline_mode<synchronous>, transform_indices = @transform_20, window_bounds = array<i64: 1, 128>}, {transform_indices = @transform_21, window_bounds = array<i64: 4000, 128>}]} {
    %get3A = arith.constant 0 : index
    %get3A_0 = arith.constant 0 : index
    %get3A_1 = vector.load %arg1[%get3A, %get3A_0] : memref<4000x128xf32, #tpu.memory_space<vmem>>, vector<4000x128xf32>
    %get3A_2 = arith.constant 0 : index
    %get3A_3 = arith.constant 0 : index
    %get3A_4 = vector.load %arg2[%get3A_2, %get3A_3] : memref<4000x8xf32, #tpu.memory_space<vmem>>, vector<4000x8xf32>
    %get3A_5 = arith.constant 0 : index
    %get3A_6 = arith.constant 0 : index
    %get3A_7 = vector.load %arg20[%get3A_5, %get3A_6] : memref<1x64xf32, #tpu.memory_space<vmem>>, vector<1x64xf32>
    %get3A_8 = arith.constant 0 : index
    %get3A_9 = arith.constant 0 : index
    %get3A_10 = vector.load %arg12[%get3A_8, %get3A_9] : memref<64x64xf32, #tpu.memory_space<vmem>>, vector<64x64xf32>
    %get3A_11 = arith.constant 0 : index
    %get3A_12 = arith.constant 0 : index
    %get3A_13 = vector.load %arg13[%get3A_11, %get3A_12] : memref<64x64xf32, #tpu.memory_space<vmem>>, vector<64x64xf32>
    %get3A_14 = arith.constant 0 : index
    %get3A_15 = arith.constant 0 : index
    %get3A_16 = vector.load %arg16[%get3A_14, %get3A_15] : memref<8x128xf32, #tpu.memory_space<vmem>>, vector<8x128xf32>
    %dot_general3A = arith.constant dense<0.000000e+00> : vector<4000x128xf32>
    %dot_general3A_17 = tpu.matmul %get3A_4, %get3A_16, %dot_general3A {dimension_numbers = #tpu.dot_dimension_numbers<[1], [0], [0], [1], [0, 0, 1, 1], [], []>, transpose_lhs_hint = false} : vector<4000x8xf32>, vector<8x128xf32>, vector<4000x128xf32> -> vector<4000x128xf32>
    %get3A_18 = arith.constant 0 : index
    %get3A_19 = arith.constant 0 : index
    %get3A_20 = vector.load %arg21[%get3A_18, %get3A_19] : memref<1x128xf32, #tpu.memory_space<vmem>>, vector<1x128xf32>
    %add3A = vector.broadcast %get3A_20 : vector<1x128xf32> to vector<4000x128xf32>
    %add3A_21 = arith.addf %dot_general3A_17, %add3A : vector<4000x128xf32>
    %get3A_22 = arith.constant 0 : index
    %get3A_23 = arith.constant 0 : index
    %get3A_24 = vector.load %arg17[%get3A_22, %get3A_23] : memref<8x128xf32, #tpu.memory_space<vmem>>, vector<8x128xf32>
    %dot_general3A_25 = arith.constant dense<0.000000e+00> : vector<4000x128xf32>
    %dot_general3A_26 = tpu.matmul %get3A_4, %get3A_24, %dot_general3A_25 {dimension_numbers = #tpu.dot_dimension_numbers<[1], [0], [0], [1], [0, 0, 1, 1], [], []>, transpose_lhs_hint = false} : vector<4000x8xf32>, vector<8x128xf32>, vector<4000x128xf32> -> vector<4000x128xf32>
    %get3A_27 = arith.constant 0 : index
    %get3A_28 = arith.constant 0 : index
    %get3A_29 = vector.load %arg14[%get3A_27, %get3A_28] : memref<128x128xf32, #tpu.memory_space<vmem>>, vector<128x128xf32>
    %dot_general3A_30 = arith.constant dense<0.000000e+00> : vector<4000x128xf32>
    %dot_general3A_31 = tpu.matmul %get3A_1, %get3A_29, %dot_general3A_30 {dimension_numbers = #tpu.dot_dimension_numbers<[1], [0], [0], [1], [0, 0, 1, 1], [], []>, transpose_lhs_hint = false} : vector<4000x128xf32>, vector<128x128xf32>, vector<4000x128xf32> -> vector<4000x128xf32>
    %mul3A = arith.mulf %dot_general3A_31, %add3A_21 : vector<4000x128xf32>
    %get3A_32 = arith.constant 0 : index
    %get3A_33 = arith.constant 0 : index
    %get3A_34 = vector.load %arg15[%get3A_32, %get3A_33] : memref<128x128xf32, #tpu.memory_space<vmem>>, vector<128x128xf32>
    %dot_general3A_35 = arith.constant dense<0.000000e+00> : vector<4000x128xf32>
    %dot_general3A_36 = tpu.matmul %get3A_1, %get3A_34, %dot_general3A_35 {dimension_numbers = #tpu.dot_dimension_numbers<[1], [0], [0], [1], [0, 0, 1, 1], [], []>, transpose_lhs_hint = false} : vector<4000x128xf32>, vector<128x128xf32>, vector<4000x128xf32> -> vector<4000x128xf32>
    %mul3A_37 = arith.mulf %dot_general3A_36, %dot_general3A_26 : vector<4000x128xf32>
    %add3A_38 = arith.addf %mul3A, %mul3A_37 : vector<4000x128xf32>
    %get3A_39 = arith.constant 0 : index
    %get3A_40 = arith.constant 0 : index
    %get3A_41 = vector.load %arg4[%get3A_39, %get3A_40] : memref<128x64xf32, #tpu.memory_space<vmem>>, vector<128x64xf32>
    %dot_general3A_42 = arith.constant dense<0.000000e+00> : vector<4000x64xf32>
    %dot_general3A_43 = tpu.matmul %add3A_38, %get3A_41, %dot_general3A_42 {dimension_numbers = #tpu.dot_dimension_numbers<[1], [0], [0], [1], [0, 0, 1, 1], [], []>, transpose_lhs_hint = false} : vector<4000x128xf32>, vector<128x64xf32>, vector<4000x64xf32> -> vector<4000x64xf32>
    %get3A_44 = arith.constant 0 : index
    %get3A_45 = arith.constant 0 : index
    %get3A_46 = vector.load %arg8[%get3A_44, %get3A_45] : memref<1x64xf32, #tpu.memory_space<vmem>>, vector<1x64xf32>
    %add3A_47 = vector.broadcast %get3A_46 : vector<1x64xf32> to vector<4000x64xf32>
    %add3A_48 = arith.addf %dot_general3A_43, %add3A_47 : vector<4000x64xf32>
    %get3A_49 = arith.constant 0 : index
    %get3A_50 = arith.constant 0 : index
    %get3A_51 = vector.load %arg5[%get3A_49, %get3A_50] : memref<128x64xf32, #tpu.memory_space<vmem>>, vector<128x64xf32>
    %dot_general3A_52 = arith.constant dense<0.000000e+00> : vector<4000x64xf32>
    %dot_general3A_53 = tpu.matmul %add3A_38, %get3A_51, %dot_general3A_52 {dimension_numbers = #tpu.dot_dimension_numbers<[1], [0], [0], [1], [0, 0, 1, 1], [], []>, transpose_lhs_hint = false} : vector<4000x128xf32>, vector<128x64xf32>, vector<4000x64xf32> -> vector<4000x64xf32>
    %get3A_54 = arith.constant 0 : index
    %get3A_55 = arith.constant 0 : index
    %get3A_56 = vector.load %arg9[%get3A_54, %get3A_55] : memref<1x64xf32, #tpu.memory_space<vmem>>, vector<1x64xf32>
    %add3A_57 = vector.broadcast %get3A_56 : vector<1x64xf32> to vector<4000x64xf32>
    %add3A_58 = arith.addf %dot_general3A_53, %add3A_57 : vector<4000x64xf32>
    %get3A_59 = arith.constant 0 : index
    %get3A_60 = arith.constant 0 : index
    %get3A_61 = vector.load %arg6[%get3A_59, %get3A_60] : memref<128x64xf32, #tpu.memory_space<vmem>>, vector<128x64xf32>
    %dot_general3A_62 = arith.constant dense<0.000000e+00> : vector<4000x64xf32>
    %dot_general3A_63 = tpu.matmul %add3A_38, %get3A_61, %dot_general3A_62 {dimension_numbers = #tpu.dot_dimension_numbers<[1], [0], [0], [1], [0, 0, 1, 1], [], []>, transpose_lhs_hint = false} : vector<4000x128xf32>, vector<128x64xf32>, vector<4000x64xf32> -> vector<4000x64xf32>
    %get3A_64 = arith.constant 0 : index
    %get3A_65 = arith.constant 0 : index
    %get3A_66 = vector.load %arg10[%get3A_64, %get3A_65] : memref<1x64xf32, #tpu.memory_space<vmem>>, vector<1x64xf32>
    %add3A_67 = vector.broadcast %get3A_66 : vector<1x64xf32> to vector<4000x64xf32>
    %add3A_68 = arith.addf %dot_general3A_63, %add3A_67 : vector<4000x64xf32>
    %get3A_69 = arith.constant 0 : index
    %get3A_70 = arith.constant 0 : index
    %get3A_71 = vector.load %arg3[%get3A_69, %get3A_70] : memref<4000x16xf32, #tpu.memory_space<vmem>>, vector<4000x16xf32>
    %get3A_72 = arith.constant 0 : index
    %get3A_73 = arith.constant 0 : index
    %get3A_74 = vector.load %arg7[%get3A_72, %get3A_73] : memref<16x64xf32, #tpu.memory_space<vmem>>, vector<16x64xf32>
    %dot_general3A_75 = arith.constant dense<0.000000e+00> : vector<4000x64xf32>
    %dot_general3A_76 = tpu.matmul %get3A_71, %get3A_74, %dot_general3A_75 {dimension_numbers = #tpu.dot_dimension_numbers<[1], [0], [0], [1], [0, 0, 1, 1], [], []>, transpose_lhs_hint = false} : vector<4000x16xf32>, vector<16x64xf32>, vector<4000x64xf32> -> vector<4000x64xf32>
    %get3A_77 = arith.constant 0 : index
    %get3A_78 = arith.constant 0 : index
    %get3A_79 = vector.load %arg11[%get3A_77, %get3A_78] : memref<1x64xf32, #tpu.memory_space<vmem>>, vector<1x64xf32>
    %add3A_80 = vector.broadcast %get3A_79 : vector<1x64xf32> to vector<4000x64xf32>
    %add3A_81 = arith.addf %dot_general3A_76, %add3A_80 : vector<4000x64xf32>
    %mul3A_82 = arith.mulf %add3A_48, %add3A_58 : vector<4000x64xf32>
    %mul3A_83 = arith.mulf %mul3A_82, %add3A_81 : vector<4000x64xf32>
    %reduce_sum3A = arith.constant dense<0.000000e+00> : vector<4000xf32>
    %reduce_sum3A_84 = vector.multi_reduction <add>, %mul3A_83, %reduce_sum3A [1] : vector<4000x64xf32> to vector<4000xf32>
    %broadcast_in_dim3A = vector.shape_cast %reduce_sum3A_84 : vector<4000xf32> to vector<4000x1xf32>
    %mul3A_85 = arith.constant 1.250000e-01 : f32
    %mul3A_86 = vector.broadcast %mul3A_85 : f32 to vector<4000x1xf32>
    %mul3A_87 = arith.mulf %broadcast_in_dim3A, %mul3A_86 : vector<4000x1xf32>
    %exp3A = math.exp %mul3A_87 : vector<4000x1xf32>
    %get3A_88 = arith.constant 0 : index
    %get3A_89 = arith.constant 0 : index
    %get3A_90 = vector.load %arg18[%get3A_88, %get3A_89] : memref<8x64xf32, #tpu.memory_space<vmem>>, vector<8x64xf32>
    %dot_general3A_91 = arith.constant dense<0.000000e+00> : vector<4000x64xf32>
    %dot_general3A_92 = tpu.matmul %get3A_4, %get3A_90, %dot_general3A_91 {dimension_numbers = #tpu.dot_dimension_numbers<[1], [0], [0], [1], [0, 0, 1, 1], [], []>, transpose_lhs_hint = false} : vector<4000x8xf32>, vector<8x64xf32>, vector<4000x64xf32> -> vector<4000x64xf32>
    %add3A_93 = vector.broadcast %get3A_7 : vector<1x64xf32> to vector<4000x64xf32>
    %add3A_94 = arith.addf %dot_general3A_92, %add3A_93 : vector<4000x64xf32>
    %get3A_95 = arith.constant 0 : index
    %get3A_96 = arith.constant 0 : index
    %get3A_97 = vector.load %arg19[%get3A_95, %get3A_96] : memref<8x64xf32, #tpu.memory_space<vmem>>, vector<8x64xf32>
    %dot_general3A_98 = arith.constant dense<0.000000e+00> : vector<4000x64xf32>
    %dot_general3A_99 = tpu.matmul %get3A_4, %get3A_97, %dot_general3A_98 {dimension_numbers = #tpu.dot_dimension_numbers<[1], [0], [0], [1], [0, 0, 1, 1], [], []>, transpose_lhs_hint = false} : vector<4000x8xf32>, vector<8x64xf32>, vector<4000x64xf32> -> vector<4000x64xf32>
    %dot_general3A_100 = arith.constant dense<0.000000e+00> : vector<4000x64xf32>
    %dot_general3A_101 = tpu.matmul %add3A_68, %get3A_10, %dot_general3A_100 {dimension_numbers = #tpu.dot_dimension_numbers<[1], [0], [0], [1], [0, 0, 1, 1], [], []>, transpose_lhs_hint = false} : vector<4000x64xf32>, vector<64x64xf32>, vector<4000x64xf32> -> vector<4000x64xf32>
    %mul3A_102 = arith.mulf %dot_general3A_101, %add3A_94 : vector<4000x64xf32>
    %dot_general3A_103 = arith.constant dense<0.000000e+00> : vector<4000x64xf32>
    %dot_general3A_104 = tpu.matmul %add3A_68, %get3A_13, %dot_general3A_103 {dimension_numbers = #tpu.dot_dimension_numbers<[1], [0], [0], [1], [0, 0, 1, 1], [], []>, transpose_lhs_hint = false} : vector<4000x64xf32>, vector<64x64xf32>, vector<4000x64xf32> -> vector<4000x64xf32>
    %mul3A_105 = arith.mulf %dot_general3A_104, %dot_general3A_99 : vector<4000x64xf32>
    %add3A_106 = arith.addf %mul3A_102, %mul3A_105 : vector<4000x64xf32>
    %mul3A_107 = vector.broadcast %exp3A : vector<4000x1xf32> to vector<4000x64xf32>
    %mul3A_108 = arith.mulf %mul3A_107, %add3A_106 : vector<4000x64xf32>
    %broadcast_in_dim3A_109 = vector.shape_cast %exp3A : vector<4000x1xf32> to vector<4000x1xf32>
    %broadcast_in_dim3A_110 = vector.broadcast %broadcast_in_dim3A_109 : vector<4000x1xf32> to vector<4000x8xf32>
    %broadcast_in_dim3A_111 = arith.constant 0.000000e+00 : f32
    %broadcast_in_dim3A_112 = vector.broadcast %broadcast_in_dim3A_111 : f32 to vector<4000x56xf32>
    %concatenate3A = tpu.concatenate %mul3A_108, %broadcast_in_dim3A_110, %broadcast_in_dim3A_112 in 1 : vector<4000x64xf32>, vector<4000x8xf32>, vector<4000x56xf32> -> vector<4000x128xf32>
    %swap3A = arith.constant 0 : index
    %swap3A_113 = arith.constant 0 : index
    %swap3A_114 = vector.load %arg22[%swap3A, %swap3A_113] : memref<4000x128xf32, #tpu.memory_space<vmem>>, vector<4000x128xf32>
    tpu.vector_store %arg22[%swap3A, %swap3A_113], %concatenate3A {strides = array<i32>} : memref<4000x128xf32, #tpu.memory_space<vmem>>, vector<4000x128xf32>,
    return
  }
  func.func @transform_0(%arg0: i32) -> (i32, i32) {
    %c0_i32 = arith.constant 0 : i32
    %c0_i32_0 = arith.constant 0 : i32
    return %arg0, %c0_i32 : i32, i32
  }
  func.func @transform_1(%arg0: i32) -> (i32, i32) {
    %c0_i32 = arith.constant 0 : i32
    %c0_i32_0 = arith.constant 0 : i32
    return %arg0, %c0_i32 : i32, i32
  }
  func.func @transform_2(%arg0: i32) -> (i32, i32) {
    %c0_i32 = arith.constant 0 : i32
    %c0_i32_0 = arith.constant 0 : i32
    return %arg0, %c0_i32 : i32, i32
  }
  func.func @transform_3(%arg0: i32) -> (i32, i32) {
    %c0_i32 = arith.constant 0 : i32
    %c0_i32_0 = arith.constant 0 : i32
    %c0_i32_1 = arith.constant 0 : i32
    return %c0_i32, %c0_i32_0 : i32, i32
  }
  func.func @transform_4(%arg0: i32) -> (i32, i32) {
    %c0_i32 = arith.constant 0 : i32
    %c0_i32_0 = arith.constant 0 : i32
    %c0_i32_1 = arith.constant 0 : i32
    return %c0_i32, %c0_i32_0 : i32, i32
  }
  func.func @transform_5(%arg0: i32) -> (i32, i32) {
    %c0_i32 = arith.constant 0 : i32
    %c0_i32_0 = arith.constant 0 : i32
    %c0_i32_1 = arith.constant 0 : i32
    return %c0_i32, %c0_i32_0 : i32, i32
  }
  func.func @transform_6(%arg0: i32) -> (i32, i32) {
    %c0_i32 = arith.constant 0 : i32
    %c0_i32_0 = arith.constant 0 : i32
    %c0_i32_1 = arith.constant 0 : i32
    return %c0_i32, %c0_i32_0 : i32, i32
  }
  func.func @transform_7(%arg0: i32) -> (i32, i32) {
    %c0_i32 = arith.constant 0 : i32
    %c0_i32_0 = arith.constant 0 : i32
    %c0_i32_1 = arith.constant 0 : i32
    return %c0_i32, %c0_i32_0 : i32, i32
  }
  func.func @transform_8(%arg0: i32) -> (i32, i32) {
    %c0_i32 = arith.constant 0 : i32
    %c0_i32_0 = arith.constant 0 : i32
    %c0_i32_1 = arith.constant 0 : i32
    return %c0_i32, %c0_i32_0 : i32, i32
  }
  func.func @transform_9(%arg0: i32) -> (i32, i32) {
    %c0_i32 = arith.constant 0 : i32
    %c0_i32_0 = arith.constant 0 : i32
    %c0_i32_1 = arith.constant 0 : i32
    return %c0_i32, %c0_i32_0 : i32, i32
  }
  func.func @transform_10(%arg0: i32) -> (i32, i32) {
    %c0_i32 = arith.constant 0 : i32
    %c0_i32_0 = arith.constant 0 : i32
    %c0_i32_1 = arith.constant 0 : i32
    return %c0_i32, %c0_i32_0 : i32, i32
  }
  func.func @transform_11(%arg0: i32) -> (i32, i32) {
    %c0_i32 = arith.constant 0 : i32
    %c0_i32_0 = arith.constant 0 : i32
    %c0_i32_1 = arith.constant 0 : i32
    return %c0_i32, %c0_i32_0 : i32, i32
  }
  func.func @transform_12(%arg0: i32) -> (i32, i32) {
    %c0_i32 = arith.constant 0 : i32
    %c0_i32_0 = arith.constant 0 : i32
    %c0_i32_1 = arith.constant 0 : i32
    return %c0_i32, %c0_i32_0 : i32, i32
  }
  func.func @transform_13(%arg0: i32) -> (i32, i32) {
    %c0_i32 = arith.constant 0 : i32
    %c0_i32_0 = arith.constant 0 : i32
    %c0_i32_1 = arith.constant 0 : i32
    return %c0_i32, %c0_i32_0 : i32, i32
  }
  func.func @transform_14(%arg0: i32) -> (i32, i32) {
    %c0_i32 = arith.constant 0 : i32
    %c0_i32_0 = arith.constant 0 : i32
    %c0_i32_1 = arith.constant 0 : i32
    return %c0_i32, %c0_i32_0 : i32, i32
  }
  func.func @transform_15(%arg0: i32) -> (i32, i32) {
    %c0_i32 = arith.constant 0 : i32
    %c0_i32_0 = arith.constant 0 : i32
    %c0_i32_1 = arith.constant 0 : i32
    return %c0_i32, %c0_i32_0 : i32, i32
  }
  func.func @transform_16(%arg0: i32) -> (i32, i32) {
    %c0_i32 = arith.constant 0 : i32
    %c0_i32_0 = arith.constant 0 : i32
    %c0_i32_1 = arith.constant 0 : i32
    return %c0_i32, %c0_i32_0 : i32, i32
  }
  func.func @transform_17(%arg0: i32) -> (i32, i32) {
    %c0_i32 = arith.constant 0 : i32
    %c0_i32_0 = arith.constant 0 : i32
    %c0_i32_1 = arith.constant 0 : i32
    return %c0_i32, %c0_i32_0 : i32, i32
  }
  func.func @transform_18(%arg0: i32) -> (i32, i32) {
    %c0_i32 = arith.constant 0 : i32
    %c0_i32_0 = arith.constant 0 : i32
    %c0_i32_1 = arith.constant 0 : i32
    return %c0_i32, %c0_i32_0 : i32, i32
  }
  func.func @transform_19(%arg0: i32) -> (i32, i32) {
    %c0_i32 = arith.constant 0 : i32
    %c0_i32_0 = arith.constant 0 : i32
    %c0_i32_1 = arith.constant 0 : i32
    return %c0_i32, %c0_i32_0 : i32, i32
  }
  func.func @transform_20(%arg0: i32) -> (i32, i32) {
    %c0_i32 = arith.constant 0 : i32
    %c0_i32_0 = arith.constant 0 : i32
    %c0_i32_1 = arith.constant 0 : i32
    return %c0_i32, %c0_i32_0 : i32, i32
  }
  func.func @transform_21(%arg0: i32) -> (i32, i32) {
    %c0_i32 = arith.constant 0 : i32
    %c0_i32_0 = arith.constant 0 : i32
    return %arg0, %c0_i32 : i32, i32
  }
}

module attributes {stable_mosaic.version = 14 : i64} {
  func.func @_div_body(%arg0: i32, %arg1: memref<1000x32xf32, #tpu.memory_space<vmem>>, %arg2: memref<1000x32xf32, #tpu.memory_space<vmem>>, %arg3: memref<1000x8xf32, #tpu.memory_space<vmem>>, %arg4: memref<1000x8xf32, #tpu.memory_space<vmem>>, %arg5: memref<1000x32xf32, #tpu.memory_space<vmem>>, %arg6: memref<1000x32xf32, #tpu.memory_space<vmem>>) attributes {dimension_semantics = [#tpu.dimension_semantics<arbitrary>], iteration_bounds = array<i64: 50>, scalar_prefetch = 0 : i64, scratch_operands = 0 : i64, tpu.core_type = #tpu.core_type<tc>, window_params = [{transform_indices = @transform_0, window_bounds = array<i64: 1000, 32>}, {transform_indices = @transform_1, window_bounds = array<i64: 1000, 32>}, {transform_indices = @transform_2, window_bounds = array<i64: 1000, 8>}, {transform_indices = @transform_3, window_bounds = array<i64: 1000, 8>}, {transform_indices = @transform_4, window_bounds = array<i64: 1000, 32>}, {transform_indices = @transform_5, window_bounds = array<i64: 1000, 32>}]} {
    %get3A = arith.constant 0 : index
    %get3A_0 = arith.constant 0 : index
    %get3A_1 = vector.load %arg3[%get3A, %get3A_0] : memref<1000x8xf32, #tpu.memory_space<vmem>>, vector<1000x8xf32>
    %reduce_sum3A = arith.constant dense<0.000000e+00> : vector<1000xf32>
    %reduce_sum3A_2 = vector.multi_reduction <add>, %get3A_1, %reduce_sum3A [1] : vector<1000x8xf32> to vector<1000xf32>
    %broadcast_in_dim3A = vector.shape_cast %reduce_sum3A_2 : vector<1000xf32> to vector<1000x1xf32>
    %get3A_3 = arith.constant 0 : index
    %get3A_4 = arith.constant 0 : index
    %get3A_5 = vector.load %arg4[%get3A_3, %get3A_4] : memref<1000x8xf32, #tpu.memory_space<vmem>>, vector<1000x8xf32>
    %reduce_sum3A_6 = arith.constant dense<0.000000e+00> : vector<1000xf32>
    %reduce_sum3A_7 = vector.multi_reduction <add>, %get3A_5, %reduce_sum3A_6 [1] : vector<1000x8xf32> to vector<1000xf32>
    %broadcast_in_dim3A_8 = vector.shape_cast %reduce_sum3A_7 : vector<1000xf32> to vector<1000x1xf32>
    %add3A = arith.addf %broadcast_in_dim3A, %broadcast_in_dim3A_8 : vector<1000x1xf32>
    %mul3A = arith.constant 1.250000e-01 : f32
    %mul3A_9 = vector.broadcast %mul3A : f32 to vector<1000x1xf32>
    %mul3A_10 = arith.mulf %add3A, %mul3A_9 : vector<1000x1xf32>
    %max3A = arith.constant 1.000000e-16 : f32
    %max3A_11 = vector.broadcast %max3A : f32 to vector<1000x1xf32>
    %max3A_12 = arith.maximumf %mul3A_10, %max3A_11 : vector<1000x1xf32>
    %div3A = arith.constant 1.000000e+00 : f32
    %div3A_13 = vector.broadcast %div3A : f32 to vector<1000x1xf32>
    %div3A_14 = arith.divf %div3A_13, %max3A_12 : vector<1000x1xf32>
    %get3A_15 = arith.constant 0 : index
    %get3A_16 = arith.constant 0 : index
    %get3A_17 = vector.load %arg1[%get3A_15, %get3A_16] : memref<1000x32xf32, #tpu.memory_space<vmem>>, vector<1000x32xf32>
    %mul3A_18 = vector.broadcast %div3A_14 : vector<1000x1xf32> to vector<1000x32xf32>
    %mul3A_19 = arith.mulf %get3A_17, %mul3A_18 : vector<1000x32xf32>
    %swap3A = arith.constant 0 : index
    %swap3A_20 = arith.constant 0 : index
    %swap3A_21 = vector.load %arg5[%swap3A, %swap3A_20] : memref<1000x32xf32, #tpu.memory_space<vmem>>, vector<1000x32xf32>
    tpu.vector_store %arg5[%swap3A, %swap3A_20], %mul3A_19 {strides = array<i32>} : memref<1000x32xf32, #tpu.memory_space<vmem>>, vector<1000x32xf32>,
    %get3A_22 = arith.constant 0 : index
    %get3A_23 = arith.constant 0 : index
    %get3A_24 = vector.load %arg2[%get3A_22, %get3A_23] : memref<1000x32xf32, #tpu.memory_space<vmem>>, vector<1000x32xf32>
    %mul3A_25 = vector.broadcast %div3A_14 : vector<1000x1xf32> to vector<1000x32xf32>
    %mul3A_26 = arith.mulf %get3A_24, %mul3A_25 : vector<1000x32xf32>
    %swap3A_27 = arith.constant 0 : index
    %swap3A_28 = arith.constant 0 : index
    %swap3A_29 = vector.load %arg6[%swap3A_27, %swap3A_28] : memref<1000x32xf32, #tpu.memory_space<vmem>>, vector<1000x32xf32>
    tpu.vector_store %arg6[%swap3A_27, %swap3A_28], %mul3A_26 {strides = array<i32>} : memref<1000x32xf32, #tpu.memory_space<vmem>>, vector<1000x32xf32>,
    return
  }
  func.func @transform_0(%arg0: i32) -> (i32, i32) {
    %c0_i32 = arith.constant 0 : i32
    %c0_i32_0 = arith.constant 0 : i32
    return %arg0, %c0_i32 : i32, i32
  }
  func.func @transform_1(%arg0: i32) -> (i32, i32) {
    %c0_i32 = arith.constant 0 : i32
    %c0_i32_0 = arith.constant 0 : i32
    return %arg0, %c0_i32 : i32, i32
  }
  func.func @transform_2(%arg0: i32) -> (i32, i32) {
    %c0_i32 = arith.constant 0 : i32
    %c0_i32_0 = arith.constant 0 : i32
    return %arg0, %c0_i32 : i32, i32
  }
  func.func @transform_3(%arg0: i32) -> (i32, i32) {
    %c0_i32 = arith.constant 0 : i32
    %c0_i32_0 = arith.constant 0 : i32
    return %arg0, %c0_i32 : i32, i32
  }
  func.func @transform_4(%arg0: i32) -> (i32, i32) {
    %c0_i32 = arith.constant 0 : i32
    %c0_i32_0 = arith.constant 0 : i32
    return %arg0, %c0_i32 : i32, i32
  }
  func.func @transform_5(%arg0: i32) -> (i32, i32) {
    %c0_i32 = arith.constant 0 : i32
    %c0_i32_0 = arith.constant 0 : i32
    return %arg0, %c0_i32 : i32, i32
  }
}

</mosaic_0001>

<sc_bundles>
// kernel: kernel.6.cloned.1.call-start
scs
__scs_entry_jumppad:
0x0: {  	(pc) =	sbr.rel $0x88, $3  }
0x1: {  	(tag) =	ssettag $0x0;
	lr =	simm.s32 $0x1  }
0x2: {  	[smem:$0x3F94] =	sst lr;
	_ =	strace $0xD0000000  }
0x3: {  	_ = 	snop  }
0x4: {  	_ = 	snop  }
0x5: {  	_ = 	snop  }
0x6: {  	_ = 	snop  }
0x7: {  	_ = 	snop  }
__scs_overlays_trampoline_lowered:
0x8: {  	[smem:$0x3FA3] =	sst s0  }
0x9: {  	[smem:$0x3FA4] =	sst s1  }
0xa: {  	[smem:$0x3FA5] =	sst s2  }
0xb: {  	[smem:$0x3FA6] =	sst s3  }
0xc: {  	[smem:$0x3FA7] =	sst s4  }
0xd: {  	[smem:$0x3FA8] =	sst s5  }
0xe: {  	[smem:$0x3FA9] =	sst s6  }
0xf: {  	[smem:$0x3FAA] =	sst s7  }
0x10: {  	[smem:$0x3FAB] =	sst s8  }
0x11: {  	[smem:$0x3FAC] =	sst s9;
	s0 =	simm.s32 @!p0 $0x0  }
0x12: {  	s1 =	sld [smem:$0x3F92];
	s0 =	simm.s32 @p0 $0x1  }
0x13: {  	[smem:$0x3FAD] =	sst s0;
	s0 =	simm.s32 @!p1 $0x0  }
0x14: {  	s2 =	sld [smem:$0x3F91];
	s0 =	simm.s32 @p1 $0x1  }
0x15: {  	[smem:$0x3FAE] =	sst s0;
	s0 =	simm.s32 @!p2 $0x0  }
0x16: {  	s3 =	sld [smem:$0x3FDB];
	s0 =	simm.s32 @p2 $0x1  }
0x17: {  	s4 =	simm.s32 $0x1BF5;
	[smem:$0x3FB0] =	sst s0  }
0x18: {  	s0 =	sld [smem:$0x3F93];
	_ =	swait.ge [sflag:s4], $0x0  }
0x19: {  	s7 =	sld [smem:$0x3F94]  }
0x1a: {  	s8 =	sadd.s32 $0xFFFFE003, lr  }
0x1b: {  	s9 =	sadd.s32 $0xFFFFFEF7, lr;
	s5 =	simm.s32 $0xFFFFFFFF;
	p2 =	slt.u32 s8, $0xFFFFF086  }
0x1c: {  	p1 =	slt.u32 s9, $0xF7A;
	s5 =	simm.s32 @!p2 $0x0  }
0x1d: {  	s5 =	simm.s32 @p1 $0x1;
	p0 =	seq.s32 s7, s2  }
0x1e: {  	s7 =	smul.u32 @!p0 $0xF7A, s2;
	p2 =	seq.s32 @!p0 s5, $0x0  }
0x1f: {  	s9 =	smul.u32 $0xF7A, s1;
	s8 =	simm.s32 @!p0 $0x1BF5;
	p2 =	por !p2, p0  }
0x20: {  	[sflag:s8] =	ssyncset.s32 @!p0 $0xFFFFF086;
	s6 =	sadd.s32 @!p0 s3, s7;
	s7 =	simm.s32 @!p0 $0x108  }
0x21: {  	s3 =	sadd.s32 s3, s9;
	s6 =	sadd.s32 @!p0 $0x88, s6;
	s7 =	simm.s32 @p2 $0x1082  }
0x22: {  	[simem:s7], [sflag:s8] =	dma.local @!p0 [hbm:s6], $0xF7A  }
0x23: {  	s9 =	sor.u32 $0xD0000000, s2;
	s6 =	simm.s32 $0x108;
	_ =	swait.ge @!p0 [sflag:s8], $0x0  }
0x24: {  	s3 =	sadd.s32 $0x88, s3;
	s6 =	simm.s32 @!p1 $0x1082;
	[sflag:s4] =	ssyncset.s32 $0xFFFFF086  }
0x25: {  	[simem:s6], [sflag:s4] =	dma.local [hbm:s3], $0xF7A  }
0x26: {  	[smem:$0x3F94] =	sst s1;
	(tag) =	ssettag s2;
	_ =	strace s9  }
0x27: {  	s1 =	sld [smem:$0x3FA4]  }
0x28: {  	s2 =	sld [smem:$0x3FA5]  }
0x29: {  	s4 =	sld [smem:$0x3FA7]  }
0x2a: {  	p0 =	seq.s32 s5, $0x0;
	s5 =	sld [smem:$0x3FA8]  }
0x2b: {  	s6 =	sld [smem:$0x3FA9]  }
0x2c: {  	s7 =	sld [smem:$0x3FAA]  }
0x2d: {  	s3 =	simm.s32 $0x108;
	s8 =	sld [smem:$0x3FAB]  }
0x2e: {  	s3 =	simm.s32 @!p0 $0x1082;
	s9 =	sld [smem:$0x3FAC]  }
0x2f: {  	lr =	sadd.s32 s0, s3;
	s0 =	sld [smem:$0x3FA3]  }
0x30: {  	s3 =	sld [smem:$0x3FA6]  }
0x31: {  	[smem:$0x3FAF] =	sst s10  }
0x32: {  	s10 =	sld [smem:$0x3FAD];
	_ =	sdelay $0x3  }
0x33: {  	p0 =	seq.s32 s10, $0x1;
	s10 =	sld [smem:$0x3FAF];
	_ =	sdelay $0x3  }
0x34: {  	[smem:$0x3FAF] =	sst s10  }
0x35: {  	s10 =	sld [smem:$0x3FAE];
	_ =	sdelay $0x3  }
0x36: {  	p1 =	seq.s32 s10, $0x1;
	s10 =	sld [smem:$0x3FAF];
	_ =	sdelay $0x3  }
0x37: {  	[smem:$0x3FAF] =	sst s10  }
0x38: {  	s10 =	sld [smem:$0x3FB0]  }
0x39: {  	_ = 	snop;
	(pc) =	sbr.ind lr, $3  }
0x3a: {  	_ = 	snop  }
0x3b: {  	_ = 	snop  }
0x3c: {  	p2 =	seq.s32 s10, $0x1;
	s10 =	sld [smem:$0x3FAF]  }
0x3d: {  	_ =	shalt  }
0x3e: {  	_ =	shalt  }
0x3f: {  	_ =	shalt  }
0x40: {  	_ =	shalt  }
0x41: {  	_ =	shalt  }
0x42: {  	_ =	shalt  }
0x43: {  	_ =	shalt  }
0x44: {  	_ =	shalt  }
0x45: {  	_ =	shalt  }
0x46: {  	_ =	shalt  }
0x47: {  	_ =	shalt  }
0x48: {  	_ =	shalt  }
0x49: {  	_ =	shalt  }
0x4a: {  	_ =	shalt  }
0x4b: {  	_ =	shalt  }
0x4c: {  	_ =	shalt  }
0x4d: {  	_ =	shalt  }
0x4e: {  	_ =	shalt  }
0x4f: {  	_ =	shalt  }
0x50: {  	_ =	shalt  }
0x51: {  	_ =	shalt  }
0x52: {  	_ =	shalt  }
0x53: {  	_ =	shalt  }
0x54: {  	_ =	shalt  }
0x55: {  	_ =	shalt  }
0x56: {  	_ =	shalt  }
0x57: {  	_ =	shalt  }
0x58: {  	_ =	shalt  }
0x59: {  	_ =	shalt  }
0x5a: {  	_ =	shalt  }
0x5b: {  	_ =	shalt  }
0x5c: {  	_ =	shalt  }
0x5d: {  	_ =	shalt  }
0x5e: {  	_ =	shalt  }
0x5f: {  	_ =	shalt  }
0x60: {  	_ =	shalt  }
0x61: {  	_ =	shalt  }
0x62: {  	_ =	shalt  }
0x63: {  	_ =	shalt  }
0x64: {  	_ =	shalt  }
0x65: {  	_ =	shalt  }
0x66: {  	_ =	shalt  }
0x67: {  	_ =	shalt  }
0x68: {  	_ =	shalt  }
0x69: {  	_ =	shalt  }
0x6a: {  	_ =	shalt  }
0x6b: {  	_ =	shalt  }
0x6c: {  	_ =	shalt  }
0x6d: {  	_ =	shalt  }
0x6e: {  	_ =	shalt  }
0x6f: {  	_ =	shalt  }
0x70: {  	_ =	shalt  }
0x71: {  	_ =	shalt  }
0x72: {  	_ =	shalt  }
0x73: {  	_ =	shalt  }
0x74: {  	_ =	shalt  }
0x75: {  	_ =	shalt  }
0x76: {  	_ =	shalt  }
0x77: {  	_ =	shalt  }
0x78: {  	_ =	shalt  }
0x79: {  	_ =	shalt  }
0x7a: {  	_ =	shalt  }
0x7b: {  	_ =	shalt  }
0x7c: {  	_ =	shalt  }
0x7d: {  	_ =	shalt  }
0x7e: {  	_ =	shalt  }
0x7f: {  	_ =	shalt  }
0x80: {  	_ =	shalt  }
0x81: {  	_ =	shalt  }
0x82: {  	_ =	shalt  }
0x83: {  	_ =	shalt  }
0x84: {  	_ =	shalt  }
0x85: {  	_ =	shalt  }
0x86: {  	_ =	shalt  }
0x87: {  	_ =	shalt  }
.Lfunc_end0:
.L_simem_size_0:
called_computation_lowered:
.L_overlay_start_0:
0x88: {  	s2 =	sld [smem:$0x3FD9]  }
0x89: {  	s3 =	sld [smem:$0x3FFE];
	_ =	sdelay $0x1  }
0x8a: {  	s1 =	srdreg.scid  }
0x8b: {  	s0 =	sand.u32 $0x1, s1  }
0x8c: {  	s14 =	sshll.u32 s0, $0xA;
	s2 =	sadd.s32 s3, s2  }
0x8d: {  	s2 =	sadd.s32 s2, s14  }
0x8e: {  	[smem:$0x3FBB] =	sst s2  }
0x8f: {  	_ = 	snop  }
0x90: {  	s2 =	sld [smem:$0x3FD0];
	_ =	sdelay $0x2  }
0x91: {  	s15 =	simm.s32 $0xA;
	s4 =	simm.s32 $0x10  }
0x92: {  	[smem:s4], [sflag:s15] =	dma.local [hbm:s2], $0x1  }
0x93: {  	_ =	swait.eq [sflag:s15], $0x1  }
0x94: {  	[sflag:s15] =	ssyncset.done $0x0  }
0x95: {  	[sflag:s15] =	ssyncadd.s32 $0xFFFFFFFF  }
0x96: {  	s16 =	sld [smem:$0x11];
	(tm) =	ssettm $0x1  }
0x97: {  	s17 =	sld [smem:$0x3FFB];
	_ =	sdelay $0x3  }
0x98: {  	_ =	strace s17  }
0x99: {  	s3 =	sld [smem:$0x3FFC];
	_ =	sdelay $0x3  }
0x9a: {  	_ =	strace s3  }
0x9b: {  	s3 =	sld [smem:$0x3FFD];
	_ =	sdelay $0x3  }
0x9c: {  	_ =	strace s3  }
0x9d: {  	_ =	strace $0x8FFFFFFF  }
0x9e: {  	s18 =	sld [smem:$0x3FDB];
	_ =	sdelay $0x1  }
0x9f: {  	s19 =	simm.s32 $_scs_section_size  }
0xa0: {  	s5 =	simm.s32 $_size__tile_overlayer_lowered;
	s6 =	simm.s32 $_tile_overlayer_lowered  }
0xa1: {  	s22 =	simm.s32 $0x1BFF;
	s21 =	sshll.u32 s6, $0x1;
	s3 =	sadd.s32 s19, s18  }
0xa2: {  	s7 =	simm.s32 $0x0;
	s20 =	sshll.u32 s5, $0x1;
	s5 =	sadd.s32 s21, s3  }
0xa3: {  	[timem:s7], [sflag:s22] =	dma.local [hbm:s5], s20  }
0xa4: {  	_ =	swait.ge [sflag:s22], s20  }
0xa5: {  	s4 =	ssub.s32 $0x0, s20;
	[sflag:s22] =	ssyncset.done $0x0  }
0xa6: {  	[sflag:s22] =	ssyncadd.s32 s4;
	_ =	sdelay $0x1  }
0xa7: {  	s23 =	simm.s32 $0x1B8B  }
0xa8: {  	_ =	swait.ge [sflag:s23], $0x1  }
0xa9: {  	[sflag:s23] =	ssyncset.done $0x0  }
0xaa: {  	s25 =	simm.s32 $0x1B8E;
	s24 =	sld [smem:$0x3FFE];
	[sflag:s23] =	ssyncadd.s32 $0xFFFFFFFF  }
0xab: {  	s26 =	simm.s32 $execute0_lowered;
	[smem:$0x3FD2] =	sst s25  }
0xac: {  	s5 =	sshll.u32 s26, $0x1;
	_ =	strace $0x80000046;
	[dreg:$0x1] =	wrdreg $0xFFFFFFFF  }
0xad: {  	s28 =	simm.s32 $_size_execute0_lowered;
	s3 =	sadd.s32 s3, s5;
	[dreg:$0x0] =	wrdreg $0x0  }
0xae: {  	s5 =	sshll.u32 s28, $0x1;
	[dreg:$0x2] =	wrdreg s3  }
0xaf: {  	[dreg:$0x3] =	wrdreg s5  }
0xb0: {  	[dreg:$0x4] =	wrdreg $0xC0  }
0xb1: {  	_ =	task [dreg:s7], $0x5FFFF  }
0xb2: {  	[dreg:$0x1] =	wrdreg $0xFFFFFFFF  }
0xb3: {  	[dreg:$0x0] =	wrdreg $0x60  }
0xb4: {  	[dreg:$0x2] =	wrdreg s24  }
0xb5: {  	[dreg:$0x3] =	wrdreg s16  }
0xb6: {  	[dreg:$0x4] =	wrdreg $0x9  }
0xb7: {  	_ =	task.clear_ibuf [dreg:s7], $0x5FFFF;
	_ =	strace $0x90000046  }
0xb8: {  	s29 =	simm.s32 $0x9;
	_ =	strace $0x80000048  }
0xb9: {  	_ =	swait.ge [sflag:s29], $0x1  }
0xba: {  	[sflag:s29] =	ssyncadd.s32 $0xFFFFFFFF  }
0xbb: {  	_ =	strace $0x90000048  }
0xbc: {  	_ =	sfence  }
0xbd: {  	s30 =	sld [smem:$0x0];
	_ =	sdelay $0x2  }
0xbe: {  	s31 =	sshll.u32 s1, $0xD;
	s1 =	sshrl.u32 s1, $0x2  }
0xbf: {  	s3 =	sand.u32 $0x4000, s31;
	s1 =	sadd.s32 s1, s30  }
0xc0: {  	s0 =	sor.u32 s3, s0;
	s1 =	sshll.u32 s1, $0x11  }
0xc1: {  	s0 =	sor.u32 s1, s0  }
0xc2: {  	s0 =	sadd.s32 $0x8F2B, s0  }
0xc3: {  	[sflag:s0] =	ssyncadd.remote.s32 $0x1  }
0xc4: {  	_ =	sfence.sel $0xFFFF  }
0xc5: {  	[dreg:$0x0] =	wrdreg $0xFFFFFFFF;
	(pc) =	sbr.abs _section_cstart, $3  }
0xc6: {  	[dreg:$0x1] =	wrdreg $0xFFFFFFFF  }
0xc7: {  	_ =	task.clear_ibuf [dreg:s7], $0x2FFFF;
	_ =	strace $0x9FFFFFFF  }
0xc8: {  	(tm) =	ssettm $0x7FFFFFFF  }
0xc9: {  	_ =	shalt  }
tec
execute0_lowered:
.L_overlay_start_1:
0x0: {  	(tag) =	ssettag $0x1  }
0x1: {  	s0 =	rddreg [dreg:$0x0]  }
0x2: {  	s2 =	rddreg [dreg:$0x1]  }
0x3: {  	s1 =	srdreg.scid;
	s11 =	stileid.u32;
	s3 =	simm.s32 $0x0  }
0x4: {  	s28 =	simm.s32 $0x4;
	s29 =	simm.s32 $0x6200;
	s30 =	simm.s32 $0x40  }
0x5: {  	s31 =	simm.s32 $0x8200;
	s1 =	sand.u32 $0x1, s1;
	s19 =	smul.u32 $0xC3500, s11  }
0x6: {  	s4 =	sshll.u32 s11, $0x1;
	[smem:$0x7FF] =	sst s3;
	s11 =	smul.u32 $0xC350, s11  }
0x7: {  	s10 =	sadd.s32 $0x3200, s0;
	s8 =	sadd.s32 $0x7D600, s0;
	s15 =	smul.u32 $0x61A8, s1  }
0x8: {  	s4 =	sor.u32 s1, s4;
	_ =	strace $0x80000047;
	s23 =	smul.u32 $0x61A80, s1  }
0x9: {  	s5 =	ssub.s32 $0x2, s1;
	s1 =	simm.s32 $0x28;
	s6 =	smul.u32 $0x61A8, s4  }
0xa: {  	s4 =	sadd.s32 $0x1BA00, s0;
	s7 =	sshrl.u32 s5, $0x1;
	s0 =	sadd.s32 $0x7D608, s0  }
0xb: {  	s24 =	sadd.s32 s19, s8;
	s19 =	simm.s32 $0x80;
	s5 =	ssub.s32 s5, s7  }
0xc: {  	s25 =	sadd.s32 s15, s11;
	s15 =	sadd.s32 s23, s24;
	s23 =	simm.s32 $0x3  }
0xd: {  	s24 =	simm.s32 $0x4200;
	s17 =	sadd.s32 $0x6100, s6;
	s6 =	sadd.s32 $0x6180, s6  }
0xe: {  	s14 =	smax.u32 s5, $0x1;
	s16 =	sshrl.u32 s25, $0x3;
	s9 =	sshrl.u32 s17, $0x3  }
0xf: {  	s26 =	sadd.s32 $0x80, s25;
	s25 =	simm.s32 $0x2;
	s12 =	sadd.s32 s2, s9  }
0x10: {  	s7 =	sshll.u32 s17, $0x4;
	s9 =	sadd.s32 s10, s9;
	[dreg:$0x3] =	wrdreg s12  }
0x11: {  	s20 =	sshrl.u32 s6, $0x3;
	s18 =	sadd.s32 s8, s7;
	[dreg:$0x4] =	wrdreg s9  }
0x12: {  	s6 =	sshll.u32 s6, $0x4;
	s7 =	sadd.s32 s7, s0;
	[dreg:$0x5] =	wrdreg s18  }
0x13: {  	s17 =	sshrl.u32 s26, $0x3;
	s21 =	sadd.s32 s2, s20;
	[dreg:$0x6] =	wrdreg s7  }
0x14: {  	s26 =	simm.s32 $0x2200;
	s22 =	sadd.s32 s8, s6;
	[dreg:$0x7] =	wrdreg s21  }
0x15: {  	s0 =	sadd.s32 s6, s0;
	s6 =	simm.s32 $0x8228;
	[dreg:$0x8] =	wrdreg s22  }
0x16: {  	s9 =	sadd.s32 s10, s20;
	[dreg:$0xa] =	wrdreg s0;
	s18 =	simm.s32 $0x100  }
0x17: {  	s20 =	simm.s32 $0x180;
	s21 =	simm.s32 $0x1;
	s22 =	simm.s32 $0x200  }
0x18: {  	s0 =	simm.s32 $0x5;
	s7 =	simm.s32 $0x0;
	[dreg:$0x9] =	wrdreg s9  }
.LBB2_1:
0x19: {  	s5 =	sadd.s32 s2, s16  }
0x1a: {  	[tilespmem:s3], [sflag:$0x1] =	stream.linear.gather [hbm4b:s5+s3], $0x80, $0x38;
	[tilespmem:$0x8C28] =	vst v63  }
0x1b: {  	s8 =	sadd.s32 s2, s17  }
0x1c: {  	[tilespmem:s18], [sflag:$0x3] =	stream.linear.gather [hbm4b:s8+s3], $0x80, $0x38;
	[tilespmem:$0x8C28] =	vst v63  }
0x1d: {  	s9 =	sadd.s32 s10, s16  }
0x1e: {  	[tilespmem:s19], [sflag:$0x2] =	stream.linear.gather [hbm4b:s9+s3], $0x80, $0x38;
	[tilespmem:$0x8C28] =	vst v63  }
0x1f: {  	s11 =	sadd.s32 s10, s17  }
0x20: {  	[tilespmem:s20], [sflag:$0x4] =	stream.linear.gather [hbm4b:s11+s3], $0x80, $0x38;
	[tilespmem:$0x8C28] =	vst v63  }
0x21: {  	_ =	swait.ge [sflag:s21], $0x80  }
0x22: {  	[sflag:s21] =	ssyncset.done $0x0  }
0x23: {  	[sflag:s21] =	ssyncadd.s32 $0xFFFFFF80  }
0x24: {  	[tilespmem:s22], [sflag:$0x1] =	stream.indirect.gather [hbm4b:s4+s19], $0x40, s3, s19, $0xb8;
	[tilespmem:$0x8C28] =	vst v63  }
0x25: {  	_ =	swait.ge [sflag:s23], $0x80  }
0x26: {  	[sflag:s23] =	ssyncset.done $0x0  }
0x27: {  	[sflag:s23] =	ssyncadd.s32 $0xFFFFFF80  }
0x28: {  	[tilespmem:s24], [sflag:$0x3] =	stream.indirect.gather [hbm4b:s4+s19], $0x40, s18, s19, $0xb8;
	[tilespmem:$0x8C28] =	vst v63  }
0x29: {  	_ =	swait.ge [sflag:s25], $0x80  }
0x2a: {  	[sflag:s25] =	ssyncset.done $0x0  }
0x2b: {  	[sflag:s25] =	ssyncadd.s32 $0xFFFFFF80  }
0x2c: {  	[tilespmem:s26], [sflag:$0x2] =	stream.indirect.gather [hbm4b:s4+s19], $0x40, s19, s19, $0xb8;
	[tilespmem:$0x8C28] =	vst v63  }
0x2d: {  	_ =	swait.ge [sflag:s28], $0x80  }
0x2e: {  	[sflag:s28] =	ssyncset.done $0x0  }
0x2f: {  	[sflag:s28] =	ssyncadd.s32 $0xFFFFFF80  }
0x30: {  	[tilespmem:s29], [sflag:$0x4] =	stream.indirect.gather [hbm4b:s4+s19], $0x40, s20, s19, $0xb8;
	[tilespmem:$0x8C28] =	vst v63  }
0x31: {  	_ =	swait.ge [sflag:s21], $0x2000  }
0x32: {  	[sflag:s21] =	ssyncset.done $0x0  }
0x33: {  	s12 =	sadd.s32 $0x0, s15;
	[sflag:s21] =	ssyncadd.s32 $0xFFFFE000  }
0x34: {  	[hbm4b:s12+s30] =	stream.strided.scatter [tilespmem:s22], [sflag:$0x1], $0x2000, s19, s30, $0x38;
	[tilespmem:$0x8C28] =	vst v63  }
0x35: {  	_ =	swait.ge [sflag:s23], $0x2000  }
0x36: {  	[sflag:s23] =	ssyncset.done $0x0  }
0x37: {  	s8 =	sadd.s32 $0x800, s12;
	[sflag:s23] =	ssyncadd.s32 $0xFFFFE000  }
0x38: {  	[hbm4b:s8+s30] =	stream.strided.scatter [tilespmem:s24], [sflag:$0x3], $0x2000, s19, s30, $0x38;
	[tilespmem:$0x8C28] =	vst v63  }
0x39: {  	_ =	swait.ge [sflag:s25], $0x2000  }
0x3a: {  	[sflag:s25] =	ssyncset.done $0x0  }
0x3b: {  	s13 =	sadd.s32 $0x8, s12;
	[sflag:s25] =	ssyncadd.s32 $0xFFFFE000  }
0x3c: {  	[hbm4b:s13+s30] =	stream.strided.scatter [tilespmem:s26], [sflag:$0x2], $0x2000, s19, s30, $0x38;
	[tilespmem:$0x8C28] =	vst v63  }
0x3d: {  	_ =	swait.ge [sflag:s28], $0x2000  }
0x3e: {  	[sflag:s28] =	ssyncset.done $0x0  }
0x3f: {  	s5 =	sadd.s32 $0x808, s12;
	[sflag:s28] =	ssyncadd.s32 $0xFFFFE000  }
0x40: {  	[hbm4b:s5+s30] =	stream.strided.scatter [tilespmem:s29], [sflag:$0x4], $0x2000, s19, s30, $0x38;
	[tilespmem:$0x8C28] =	vst v63  }
0x41: {  	_ =	swait.ge [sflag:s21], $0x2000  }
0x42: {  	[sflag:s21] =	ssyncset.done $0x0  }
0x43: {  	[sflag:s21] =	ssyncadd.s32 $0xFFFFE000  }
0x44: {  	_ =	swait.ge [sflag:s23], $0x2000  }
0x45: {  	[sflag:s23] =	ssyncset.done $0x0  }
0x46: {  	[sflag:s23] =	ssyncadd.s32 $0xFFFFE000  }
0x47: {  	_ =	swait.ge [sflag:s25], $0x2000  }
0x48: {  	[sflag:s25] =	ssyncset.done $0x0  }
0x49: {  	[sflag:s25] =	ssyncadd.s32 $0xFFFFE000  }
0x4a: {  	s9 =	sadd.s32 $0x20, s2;
	s11 =	simm.s32 $0x2000;
	_ =	swait.ge [sflag:s28], $0x2000  }
0x4b: {  	s8 =	simm.s32 $0x1000;
	s5 =	smov.u32 s10;
	[sflag:s28] =	ssyncset.done $0x0  }
.LBB2_2:
0x4c: {  	s12 =	sadd.s32 s9, s16  }
0x4d: {  	[sflag:s28] =	ssyncadd.s32 $0xFFFFE000;
	s5 =	sadd.s32 $0x20, s5;
	s13 =	smov.u32 s11  }
0x4e: {  	[tilespmem:s3], [sflag:$0x1] =	stream.linear.gather [hbm4b:s12+s3], $0x80, $0x38;
	[tilespmem:$0x8C28] =	vst v63  }
0x4f: {  	p0 =	sne.s32 s11, $0x60000;
	s11 =	sadd.s32 $0x1000, s11;
	s12 =	sadd.s32 s9, s17  }
0x50: {  	[tilespmem:s18], [sflag:$0x3] =	stream.linear.gather [hbm4b:s12+s3], $0x80, $0x38;
	[tilespmem:$0x8C28] =	vst v63  }
0x51: {  	s12 =	sadd.s32 s5, s16  }
0x52: {  	[tilespmem:s19], [sflag:$0x2] =	stream.linear.gather [hbm4b:s12+s3], $0x80, $0x38;
	[tilespmem:$0x8C28] =	vst v63  }
0x53: {  	s12 =	sadd.s32 s5, s17  }
0x54: {  	[tilespmem:s20], [sflag:$0x4] =	stream.linear.gather [hbm4b:s12+s3], $0x80, $0x38;
	[tilespmem:$0x8C28] =	vst v63  }
0x55: {  	_ =	swait.ge [sflag:s21], $0x80  }
0x56: {  	[sflag:s21] =	ssyncset.done $0x0  }
0x57: {  	[sflag:s21] =	ssyncadd.s32 $0xFFFFFF80  }
0x58: {  	[tilespmem:s22], [sflag:$0x1] =	stream.indirect.gather [hbm4b:s4+s19], $0x40, s3, s19, $0xb8;
	[tilespmem:$0x8C28] =	vst v63  }
0x59: {  	_ =	swait.ge [sflag:s23], $0x80  }
0x5a: {  	[sflag:s23] =	ssyncset.done $0x0  }
0x5b: {  	[sflag:s23] =	ssyncadd.s32 $0xFFFFFF80  }
0x5c: {  	[tilespmem:s24], [sflag:$0x3] =	stream.indirect.gather [hbm4b:s4+s19], $0x40, s18, s19, $0xb8;
	[tilespmem:$0x8C28] =	vst v63  }
0x5d: {  	_ =	swait.ge [sflag:s25], $0x80  }
0x5e: {  	[sflag:s25] =	ssyncset.done $0x0  }
0x5f: {  	[sflag:s25] =	ssyncadd.s32 $0xFFFFFF80  }
0x60: {  	[tilespmem:s26], [sflag:$0x2] =	stream.indirect.gather [hbm4b:s4+s19], $0x40, s19, s19, $0xb8;
	[tilespmem:$0x8C28] =	vst v63  }
0x61: {  	_ =	swait.ge [sflag:s28], $0x80  }
0x62: {  	[sflag:s28] =	ssyncset.done $0x0  }
0x63: {  	[sflag:s28] =	ssyncadd.s32 $0xFFFFFF80  }
0x64: {  	[tilespmem:s29], [sflag:$0x4] =	stream.indirect.gather [hbm4b:s4+s19], $0x40, s20, s19, $0xb8;
	[tilespmem:$0x8C28] =	vst v63  }
0x65: {  	_ =	swait.ge [sflag:s21], $0x2000  }
0x66: {  	[sflag:s21] =	ssyncset.done $0x0  }
0x67: {  	s12 =	sadd.s32 s8, s15;
	s8 =	smov.u32 s13;
	[sflag:s21] =	ssyncadd.s32 $0xFFFFE000  }
0x68: {  	[hbm4b:s12+s30] =	stream.strided.scatter [tilespmem:s22], [sflag:$0x1], $0x2000, s19, s30, $0x38;
	[tilespmem:$0x8C28] =	vst v63  }
0x69: {  	_ =	swait.ge [sflag:s23], $0x2000  }
0x6a: {  	[sflag:s23] =	ssyncset.done $0x0  }
0x6b: {  	s13 =	sadd.s32 $0x800, s12;
	[sflag:s23] =	ssyncadd.s32 $0xFFFFE000  }
0x6c: {  	[hbm4b:s13+s30] =	stream.strided.scatter [tilespmem:s24], [sflag:$0x3], $0x2000, s19, s30, $0x38;
	[tilespmem:$0x8C28] =	vst v63  }
0x6d: {  	_ =	swait.ge [sflag:s25], $0x2000  }
0x6e: {  	[sflag:s25] =	ssyncset.done $0x0  }
0x6f: {  	s13 =	sadd.s32 $0x8, s12;
	[sflag:s25] =	ssyncadd.s32 $0xFFFFE000  }
0x70: {  	[hbm4b:s13+s30] =	stream.strided.scatter [tilespmem:s26], [sflag:$0x2], $0x2000, s19, s30, $0x38;
	[tilespmem:$0x8C28] =	vst v63  }
0x71: {  	_ =	swait.ge [sflag:s28], $0x2000  }
0x72: {  	[sflag:s28] =	ssyncset.done $0x0  }
0x73: {  	s12 =	sadd.s32 $0x808, s12;
	[sflag:s28] =	ssyncadd.s32 $0xFFFFE000  }
0x74: {  	[hbm4b:s12+s30] =	stream.strided.scatter [tilespmem:s29], [sflag:$0x4], $0x2000, s19, s30, $0x38;
	[tilespmem:$0x8C28] =	vst v63  }
0x75: {  	_ =	swait.ge [sflag:s21], $0x2000  }
0x76: {  	[sflag:s21] =	ssyncset.done $0x0  }
0x77: {  	[sflag:s21] =	ssyncadd.s32 $0xFFFFE000  }
0x78: {  	_ =	swait.ge [sflag:s23], $0x2000  }
0x79: {  	[sflag:s23] =	ssyncset.done $0x0  }
0x7a: {  	[sflag:s23] =	ssyncadd.s32 $0xFFFFE000  }
.Ltmp0:
0x7b: {  	_ =	swait.ge [sflag:s25], $0x2000;
	(pc) =	sbr.rel @p0 .LBB2_2-.Ltmp0, $4  }
0x7c: {  	[sflag:s25] =	ssyncset.done $0x0  }
0x7d: {  	[sflag:s25] =	ssyncadd.s32 $0xFFFFE000  }
0x7e: {  	_ =	swait.ge [sflag:s28], $0x2000  }
0x7f: {  	s9 =	sadd.s32 $0x20, s9;
	[sflag:s28] =	ssyncset.done $0x0  }
0x80: {  	s11 =	sadd.s32 s9, s16;
	[sflag:s28] =	ssyncadd.s32 $0xFFFFE000  }
0x81: {  	[tilespmem:s3], [sflag:$0x1] =	stream.linear.gather [hbm4b:s11+s3], $0x80, $0x38;
	[tilespmem:$0x8C28] =	vst v63  }
0x82: {  	s5 =	sadd.s32 $0x20, s5;
	s11 =	sadd.s32 s9, s17  }
0x83: {  	[tilespmem:s18], [sflag:$0x3] =	stream.linear.gather [hbm4b:s11+s3], $0x80, $0x38;
	[tilespmem:$0x8C28] =	vst v63  }
0x84: {  	s12 =	sadd.s32 s5, s16  }
0x85: {  	[tilespmem:s19], [sflag:$0x2] =	stream.linear.gather [hbm4b:s12+s3], $0x80, $0x38;
	[tilespmem:$0x8C28] =	vst v63  }
0x86: {  	s5 =	sadd.s32 s5, s17  }
0x87: {  	[tilespmem:s20], [sflag:$0x4] =	stream.linear.gather [hbm4b:s5+s3], $0x80, $0x38;
	[tilespmem:$0x8C28] =	vst v63  }
0x88: {  	_ =	swait.ge [sflag:s21], $0x80  }
0x89: {  	[sflag:s21] =	ssyncset.done $0x0  }
0x8a: {  	[sflag:s21] =	ssyncadd.s32 $0xFFFFFF80  }
0x8b: {  	[tilespmem:s22], [sflag:$0x1] =	stream.indirect.gather [hbm4b:s4+s19], $0x40, s3, s19, $0xb8;
	[tilespmem:$0x8C28] =	vst v63  }
0x8c: {  	_ =	swait.ge [sflag:s23], $0x80  }
0x8d: {  	[sflag:s23] =	ssyncset.done $0x0  }
0x8e: {  	[sflag:s23] =	ssyncadd.s32 $0xFFFFFF80  }
0x8f: {  	[tilespmem:s24], [sflag:$0x3] =	stream.indirect.gather [hbm4b:s4+s19], $0x40, s18, s19, $0xb8;
	[tilespmem:$0x8C28] =	vst v63  }
0x90: {  	_ =	swait.ge [sflag:s25], $0x80  }
0x91: {  	[sflag:s25] =	ssyncset.done $0x0  }
0x92: {  	[sflag:s25] =	ssyncadd.s32 $0xFFFFFF80  }
0x93: {  	[tilespmem:s26], [sflag:$0x2] =	stream.indirect.gather [hbm4b:s4+s19], $0x40, s19, s19, $0xb8;
	[tilespmem:$0x8C28] =	vst v63  }
0x94: {  	_ =	swait.ge [sflag:s28], $0x80  }
0x95: {  	[sflag:s28] =	ssyncset.done $0x0  }
0x96: {  	[sflag:s28] =	ssyncadd.s32 $0xFFFFFF80  }
0x97: {  	[tilespmem:s29], [sflag:$0x4] =	stream.indirect.gather [hbm4b:s4+s19], $0x40, s20, s19, $0xb8;
	[tilespmem:$0x8C28] =	vst v63  }
0x98: {  	_ =	swait.ge [sflag:s21], $0x2000  }
0x99: {  	[sflag:s21] =	ssyncset.done $0x0  }
0x9a: {  	s13 =	sadd.s32 s8, s15;
	[sflag:s21] =	ssyncadd.s32 $0xFFFFE000  }
0x9b: {  	[hbm4b:s13+s30] =	stream.strided.scatter [tilespmem:s22], [sflag:$0x1], $0x2000, s19, s30, $0x38;
	[tilespmem:$0x8C28] =	vst v63  }
0x9c: {  	_ =	swait.ge [sflag:s23], $0x2000  }
0x9d: {  	[sflag:s23] =	ssyncset.done $0x0  }
0x9e: {  	s8 =	sadd.s32 $0x800, s13;
	[sflag:s23] =	ssyncadd.s32 $0xFFFFE000  }
0x9f: {  	[hbm4b:s8+s30] =	stream.strided.scatter [tilespmem:s24], [sflag:$0x3], $0x2000, s19, s30, $0x38;
	[tilespmem:$0x8C28] =	vst v63  }
0xa0: {  	_ =	swait.ge [sflag:s25], $0x2000  }
0xa1: {  	[sflag:s25] =	ssyncset.done $0x0  }
0xa2: {  	s9 =	sadd.s32 $0x8, s13;
	[sflag:s25] =	ssyncadd.s32 $0xFFFFE000  }
0xa3: {  	[hbm4b:s9+s30] =	stream.strided.scatter [tilespmem:s26], [sflag:$0x2], $0x2000, s19, s30, $0x38;
	[tilespmem:$0x8C28] =	vst v63  }
0xa4: {  	_ =	swait.ge [sflag:s28], $0x2000  }
0xa5: {  	[sflag:s28] =	ssyncset.done $0x0  }
0xa6: {  	s5 =	sadd.s32 $0x808, s13;
	[sflag:s28] =	ssyncadd.s32 $0xFFFFE000  }
0xa7: {  	[hbm4b:s5+s30] =	stream.strided.scatter [tilespmem:s29], [sflag:$0x4], $0x2000, s19, s30, $0x38;
	[tilespmem:$0x8C28] =	vst v63  }
0xa8: {  	_ =	swait.ge [sflag:s21], $0x2000  }
0xa9: {  	[sflag:s21] =	ssyncset.done $0x0  }
0xaa: {  	[sflag:s21] =	ssyncadd.s32 $0xFFFFE000  }
0xab: {  	_ =	swait.ge [sflag:s23], $0x2000  }
0xac: {  	[sflag:s23] =	ssyncset.done $0x0  }
0xad: {  	[sflag:s23] =	ssyncadd.s32 $0xFFFFE000  }
0xae: {  	_ =	swait.ge [sflag:s25], $0x2000  }
0xaf: {  	[sflag:s25] =	ssyncset.done $0x0  }
0xb0: {  	[sflag:s25] =	ssyncadd.s32 $0xFFFFE000  }
0xb1: {  	_ =	swait.ge [sflag:s28], $0x2000  }
0xb2: {  	[sflag:s28] =	ssyncset.done $0x0  }
0xb3: {  	s11 =	rddreg [dreg:$0x3];
	[sflag:s28] =	ssyncadd.s32 $0xFFFFE000  }
0xb4: {  	[tilespmem:s3], [sflag:$0x1] =	stream.linear.gather [hbm4b:s11+s3], $0x80, $0x38;
	[tilespmem:$0x8C28] =	vst v63  }
0xb5: {  	s12 =	rddreg [dreg:$0x4]  }
0xb6: {  	[tilespmem:s19], [sflag:$0x2] =	stream.linear.gather [hbm4b:s12+s3], $0x80, $0x38;
	[tilespmem:$0x8C28] =	vst v63  }
0xb7: {  	_ =	swait.ge [sflag:s21], $0x80  }
0xb8: {  	[sflag:s21] =	ssyncset.done $0x0  }
0xb9: {  	[sflag:s21] =	ssyncadd.s32 $0xFFFFFF80  }
0xba: {  	[tilespmem:s22], [sflag:$0x1] =	stream.indirect.gather [hbm4b:s4+s19], $0x40, s3, s19, $0xb8;
	[tilespmem:$0x8C28] =	vst v63  }
0xbb: {  	_ =	swait.ge [sflag:s25], $0x80  }
0xbc: {  	[sflag:s25] =	ssyncset.done $0x0  }
0xbd: {  	[sflag:s25] =	ssyncadd.s32 $0xFFFFFF80  }
0xbe: {  	[tilespmem:s26], [sflag:$0x2] =	stream.indirect.gather [hbm4b:s4+s19], $0x40, s19, s19, $0xb8;
	[tilespmem:$0x8C28] =	vst v63  }
0xbf: {  	_ =	swait.ge [sflag:s21], $0x2000  }
0xc0: {  	[sflag:s21] =	ssyncset.done $0x0  }
0xc1: {  	s13 =	rddreg [dreg:$0x5];
	[sflag:s21] =	ssyncadd.s32 $0xFFFFE000  }
0xc2: {  	[hbm4b:s13+s30] =	stream.strided.scatter [tilespmem:s22], [sflag:$0x1], $0x2000, s19, s30, $0x38;
	[tilespmem:$0x8C28] =	vst v63  }
0xc3: {  	_ =	swait.ge [sflag:s25], $0x2000  }
0xc4: {  	[sflag:s25] =	ssyncset.done $0x0  }
0xc5: {  	s8 =	rddreg [dreg:$0x6];
	[sflag:s25] =	ssyncadd.s32 $0xFFFFE000  }
0xc6: {  	[hbm4b:s8+s30] =	stream.strided.scatter [tilespmem:s26], [sflag:$0x2], $0x2000, s19, s30, $0x38;
	[tilespmem:$0x8C28] =	vst v63  }
0xc7: {  	_ =	swait.ge [sflag:s21], $0x2000  }
0xc8: {  	[sflag:s21] =	ssyncset.done $0x0  }
0xc9: {  	[sflag:s21] =	ssyncadd.s32 $0xFFFFE000  }
0xca: {  	_ =	swait.ge [sflag:s25], $0x2000  }
0xcb: {  	[sflag:s25] =	ssyncset.done $0x0  }
0xcc: {  	s9 =	rddreg [dreg:$0x7];
	[sflag:s25] =	ssyncadd.s32 $0xFFFFE000  }
0xcd: {  	[tilespmem:s31], [sflag:$0x5] =	stream.linear.gather [hbm4b:s9+s3], $0x28, $0x38;
	[tilespmem:$0x8C28] =	vst v63  }
0xce: {  	_ =	swait.ge [sflag:s0], $0x28  }
0xcf: {  	[sflag:s0] =	ssyncset.done $0x0  }
0xd0: {  	[sflag:s0] =	ssyncadd.s32 $0xFFFFFFD8  }
0xd1: {  	[tilespmem:s6], [sflag:$0x1] =	stream.indirect.gather [hbm4b:s4+s1], $0x40, s31, s1, $0xb8;
	[tilespmem:$0x8C28] =	vst v63  }
0xd2: {  	_ =	swait.ge [sflag:s21], $0xA00  }
0xd3: {  	[sflag:s21] =	ssyncset.done $0x0  }
0xd4: {  	s11 =	rddreg [dreg:$0x8];
	[sflag:s21] =	ssyncadd.s32 $0xFFFFF600  }
0xd5: {  	[hbm4b:s11+s30] =	stream.strided.scatter [tilespmem:s6], [sflag:$0x5], $0xA00, s19, s30, $0x38;
	[tilespmem:$0x8C28] =	vst v63  }
0xd6: {  	_ =	swait.ge [sflag:s0], $0xA00  }
0xd7: {  	[sflag:s0] =	ssyncset.done $0x0  }
0xd8: {  	s12 =	rddreg [dreg:$0x9];
	[sflag:s0] =	ssyncadd.s32 $0xFFFFF600  }
0xd9: {  	[tilespmem:s31], [sflag:$0x5] =	stream.linear.gather [hbm4b:s12+s3], $0x28, $0x38;
	[tilespmem:$0x8C28] =	vst v63  }
0xda: {  	_ =	swait.ge [sflag:s0], $0x28  }
0xdb: {  	[sflag:s0] =	ssyncset.done $0x0  }
0xdc: {  	[sflag:s0] =	ssyncadd.s32 $0xFFFFFFD8  }
0xdd: {  	[tilespmem:s6], [sflag:$0x1] =	stream.indirect.gather [hbm4b:s4+s1], $0x40, s31, s1, $0xb8;
	[tilespmem:$0x8C28] =	vst v63  }
0xde: {  	s7 =	sadd.s32 $0x1, s7;
	_ =	swait.ge [sflag:s21], $0xA00  }
0xdf: {  	p0 =	sne.s32 s7, s14;
	[sflag:s21] =	ssyncset.done $0x0  }
.Ltmp1:
0xe0: {  	s13 =	rddreg [dreg:$0xa];
	[sflag:s21] =	ssyncadd.s32 $0xFFFFF600;
	(pc) =	sbr.rel @p0 .LBB2_1-.Ltmp1, $4  }
0xe1: {  	[hbm4b:s13+s30] =	stream.strided.scatter [tilespmem:s6], [sflag:$0x5], $0xA00, s19, s30, $0x38;
	[tilespmem:$0x8C28] =	vst v63  }
0xe2: {  	_ =	swait.ge [sflag:s0], $0xA00  }
0xe3: {  	[sflag:s0] =	ssyncset.done $0x0  }
0xe4: {  	[sflag:s0] =	ssyncadd.s32 $0xFFFFF600  }
0xe5: {  	_ =	sfence.sel $0x180000  }
0xe6: {  	[bflag:$0x0] =	sbarrier.arrive $0xFFFF  }
0xe7: {  	_ =	strace $0x90000047  }
0xe8: {  	s0 =	stileid.u32;
	[bflag:$0x2] =	sbarrier.arrive $0xFFFF  }
0xe9: {  	p0 =	sne.s32 s0, $0x0;
	s0 =	rddreg [dreg:$0x2]  }
0xea: {  	s0 =	sadd.s32 @!p0 $0x100000, s0  }
0xeb: {  	[sflag:s0] =	ssyncadd.tile.s32 @!p0 $0x1;
	_ =	shalt  }
.Lfunc_end2:
_tile_overlayer_lowered:
.L_overlay_start_2:
0xec: {  	(tag) =	ssettag $0x2  }
0xed: {  	s0 =	rddreg [dreg:$0x0];
	s2 =	stileid.u32  }
0xee: {  	s1 =	rddreg [dreg:$0x1];
	p0 =	sne.s32 s2, $0x0  }
0xef: {  	s3 =	rddreg [dreg:$0x2];
	[bflag:$0x3] =	sbarrier.arrive $0xFFFF;
	s2 =	simm.s32 @!p0 $0x1C05  }
0xf0: {  	[timem:s3], [sflag:s2] =	dma.local @!p0 [hbm:s0], s1  }
0xf1: {  	s0 =	simm.s32 @!p0 $0x5  }
0xf2: {  	_ =	swait.ge @!p0 [sflag:s0], s1  }
0xf3: {  	s1 =	ssub.s32 @!p0 $0x0, s1;
	[sflag:s0] =	ssyncset.done @!p0 $0x0  }
0xf4: {  	[sflag:s0] =	ssyncadd.s32 @!p0 s1  }
0xf5: {  	[bflag:$0x3] =	sbarrier.arrive $0xFFFF  }
0xf6: {  	_ =	shalt  }

// kernel: kernel.9.cloned.1.call-start
scs
__scs_entry_jumppad:
0x0: {  	(pc) =	sbr.rel $0x88, $3  }
0x1: {  	(tag) =	ssettag $0x0;
	lr =	simm.s32 $0x1  }
0x2: {  	[smem:$0x3F94] =	sst lr;
	_ =	strace $0xD0000000  }
0x3: {  	_ = 	snop  }
0x4: {  	_ = 	snop  }
0x5: {  	_ = 	snop  }
0x6: {  	_ = 	snop  }
0x7: {  	_ = 	snop  }
__scs_overlays_trampoline_lowered:
0x8: {  	[smem:$0x3FA3] =	sst s0  }
0x9: {  	[smem:$0x3FA4] =	sst s1  }
0xa: {  	[smem:$0x3FA5] =	sst s2  }
0xb: {  	[smem:$0x3FA6] =	sst s3  }
0xc: {  	[smem:$0x3FA7] =	sst s4  }
0xd: {  	[smem:$0x3FA8] =	sst s5  }
0xe: {  	[smem:$0x3FA9] =	sst s6  }
0xf: {  	[smem:$0x3FAA] =	sst s7  }
0x10: {  	[smem:$0x3FAB] =	sst s8  }
0x11: {  	[smem:$0x3FAC] =	sst s9;
	s0 =	simm.s32 @!p0 $0x0  }
0x12: {  	s1 =	sld [smem:$0x3F92];
	s0 =	simm.s32 @p0 $0x1  }
0x13: {  	[smem:$0x3FAD] =	sst s0;
	s0 =	simm.s32 @!p1 $0x0  }
0x14: {  	s2 =	sld [smem:$0x3F91];
	s0 =	simm.s32 @p1 $0x1  }
0x15: {  	[smem:$0x3FAE] =	sst s0;
	s0 =	simm.s32 @!p2 $0x0  }
0x16: {  	s3 =	sld [smem:$0x3FDB];
	s0 =	simm.s32 @p2 $0x1  }
0x17: {  	s4 =	simm.s32 $0x1BF5;
	[smem:$0x3FB0] =	sst s0  }
0x18: {  	s0 =	sld [smem:$0x3F93];
	_ =	swait.ge [sflag:s4], $0x0  }
0x19: {  	s7 =	sld [smem:$0x3F94]  }
0x1a: {  	s8 =	sadd.s32 $0xFFFFE003, lr  }
0x1b: {  	s9 =	sadd.s32 $0xFFFFFEF7, lr;
	s5 =	simm.s32 $0xFFFFFFFF;
	p2 =	slt.u32 s8, $0xFFFFF086  }
0x1c: {  	p1 =	slt.u32 s9, $0xF7A;
	s5 =	simm.s32 @!p2 $0x0  }
0x1d: {  	s5 =	simm.s32 @p1 $0x1;
	p0 =	seq.s32 s7, s2  }
0x1e: {  	s7 =	smul.u32 @!p0 $0xF7A, s2;
	p2 =	seq.s32 @!p0 s5, $0x0  }
0x1f: {  	s9 =	smul.u32 $0xF7A, s1;
	s8 =	simm.s32 @!p0 $0x1BF5;
	p2 =	por !p2, p0  }
0x20: {  	[sflag:s8] =	ssyncset.s32 @!p0 $0xFFFFF086;
	s6 =	sadd.s32 @!p0 s3, s7;
	s7 =	simm.s32 @!p0 $0x108  }
0x21: {  	s3 =	sadd.s32 s3, s9;
	s6 =	sadd.s32 @!p0 $0x88, s6;
	s7 =	simm.s32 @p2 $0x1082  }
0x22: {  	[simem:s7], [sflag:s8] =	dma.local @!p0 [hbm:s6], $0xF7A  }
0x23: {  	s9 =	sor.u32 $0xD0000000, s2;
	s6 =	simm.s32 $0x108;
	_ =	swait.ge @!p0 [sflag:s8], $0x0  }
0x24: {  	s3 =	sadd.s32 $0x88, s3;
	s6 =	simm.s32 @!p1 $0x1082;
	[sflag:s4] =	ssyncset.s32 $0xFFFFF086  }
0x25: {  	[simem:s6], [sflag:s4] =	dma.local [hbm:s3], $0xF7A  }
0x26: {  	[smem:$0x3F94] =	sst s1;
	(tag) =	ssettag s2;
	_ =	strace s9  }
0x27: {  	s1 =	sld [smem:$0x3FA4]  }
0x28: {  	s2 =	sld [smem:$0x3FA5]  }
0x29: {  	s4 =	sld [smem:$0x3FA7]  }
0x2a: {  	p0 =	seq.s32 s5, $0x0;
	s5 =	sld [smem:$0x3FA8]  }
0x2b: {  	s6 =	sld [smem:$0x3FA9]  }
0x2c: {  	s7 =	sld [smem:$0x3FAA]  }
0x2d: {  	s3 =	simm.s32 $0x108;
	s8 =	sld [smem:$0x3FAB]  }
0x2e: {  	s3 =	simm.s32 @!p0 $0x1082;
	s9 =	sld [smem:$0x3FAC]  }
0x2f: {  	lr =	sadd.s32 s0, s3;
	s0 =	sld [smem:$0x3FA3]  }
0x30: {  	s3 =	sld [smem:$0x3FA6]  }
0x31: {  	[smem:$0x3FAF] =	sst s10  }
0x32: {  	s10 =	sld [smem:$0x3FAD];
	_ =	sdelay $0x3  }
0x33: {  	p0 =	seq.s32 s10, $0x1;
	s10 =	sld [smem:$0x3FAF];
	_ =	sdelay $0x3  }
0x34: {  	[smem:$0x3FAF] =	sst s10  }
0x35: {  	s10 =	sld [smem:$0x3FAE];
	_ =	sdelay $0x3  }
0x36: {  	p1 =	seq.s32 s10, $0x1;
	s10 =	sld [smem:$0x3FAF];
	_ =	sdelay $0x3  }
0x37: {  	[smem:$0x3FAF] =	sst s10  }
0x38: {  	s10 =	sld [smem:$0x3FB0]  }
0x39: {  	_ = 	snop;
	(pc) =	sbr.ind lr, $3  }
0x3a: {  	_ = 	snop  }
0x3b: {  	_ = 	snop  }
0x3c: {  	p2 =	seq.s32 s10, $0x1;
	s10 =	sld [smem:$0x3FAF]  }
0x3d: {  	_ =	shalt  }
0x3e: {  	_ =	shalt  }
0x3f: {  	_ =	shalt  }
0x40: {  	_ =	shalt  }
0x41: {  	_ =	shalt  }
0x42: {  	_ =	shalt  }
0x43: {  	_ =	shalt  }
0x44: {  	_ =	shalt  }
0x45: {  	_ =	shalt  }
0x46: {  	_ =	shalt  }
0x47: {  	_ =	shalt  }
0x48: {  	_ =	shalt  }
0x49: {  	_ =	shalt  }
0x4a: {  	_ =	shalt  }
0x4b: {  	_ =	shalt  }
0x4c: {  	_ =	shalt  }
0x4d: {  	_ =	shalt  }
0x4e: {  	_ =	shalt  }
0x4f: {  	_ =	shalt  }
0x50: {  	_ =	shalt  }
0x51: {  	_ =	shalt  }
0x52: {  	_ =	shalt  }
0x53: {  	_ =	shalt  }
0x54: {  	_ =	shalt  }
0x55: {  	_ =	shalt  }
0x56: {  	_ =	shalt  }
0x57: {  	_ =	shalt  }
0x58: {  	_ =	shalt  }
0x59: {  	_ =	shalt  }
0x5a: {  	_ =	shalt  }
0x5b: {  	_ =	shalt  }
0x5c: {  	_ =	shalt  }
0x5d: {  	_ =	shalt  }
0x5e: {  	_ =	shalt  }
0x5f: {  	_ =	shalt  }
0x60: {  	_ =	shalt  }
0x61: {  	_ =	shalt  }
0x62: {  	_ =	shalt  }
0x63: {  	_ =	shalt  }
0x64: {  	_ =	shalt  }
0x65: {  	_ =	shalt  }
0x66: {  	_ =	shalt  }
0x67: {  	_ =	shalt  }
0x68: {  	_ =	shalt  }
0x69: {  	_ =	shalt  }
0x6a: {  	_ =	shalt  }
0x6b: {  	_ =	shalt  }
0x6c: {  	_ =	shalt  }
0x6d: {  	_ =	shalt  }
0x6e: {  	_ =	shalt  }
0x6f: {  	_ =	shalt  }
0x70: {  	_ =	shalt  }
0x71: {  	_ =	shalt  }
0x72: {  	_ =	shalt  }
0x73: {  	_ =	shalt  }
0x74: {  	_ =	shalt  }
0x75: {  	_ =	shalt  }
0x76: {  	_ =	shalt  }
0x77: {  	_ =	shalt  }
0x78: {  	_ =	shalt  }
0x79: {  	_ =	shalt  }
0x7a: {  	_ =	shalt  }
0x7b: {  	_ =	shalt  }
0x7c: {  	_ =	shalt  }
0x7d: {  	_ =	shalt  }
0x7e: {  	_ =	shalt  }
0x7f: {  	_ =	shalt  }
0x80: {  	_ =	shalt  }
0x81: {  	_ =	shalt  }
0x82: {  	_ =	shalt  }
0x83: {  	_ =	shalt  }
0x84: {  	_ =	shalt  }
0x85: {  	_ =	shalt  }
0x86: {  	_ =	shalt  }
0x87: {  	_ =	shalt  }
.Lfunc_end0:
.L_simem_size_0:
called_computation.1_lowered:
.L_overlay_start_0:
0x88: {  	s2 =	sld [smem:$0x3FD9]  }
0x89: {  	s3 =	sld [smem:$0x3FFE];
	_ =	sdelay $0x1  }
0x8a: {  	s1 =	srdreg.scid  }
0x8b: {  	s0 =	sand.u32 $0x1, s1  }
0x8c: {  	s14 =	sshll.u32 s0, $0xA;
	s2 =	sadd.s32 s3, s2  }
0x8d: {  	s2 =	sadd.s32 s2, s14  }
0x8e: {  	[smem:$0x3FBB] =	sst s2  }
0x8f: {  	_ = 	snop  }
0x90: {  	s2 =	sld [smem:$0x3FD0];
	_ =	sdelay $0x2  }
0x91: {  	s15 =	simm.s32 $0xA;
	s4 =	simm.s32 $0x10  }
0x92: {  	[smem:s4], [sflag:s15] =	dma.local [hbm:s2], $0x1  }
0x93: {  	_ =	swait.eq [sflag:s15], $0x1  }
0x94: {  	[sflag:s15] =	ssyncset.done $0x0  }
0x95: {  	s16 =	sld [smem:$0x10];
	[sflag:s15] =	ssyncadd.s32 $0xFFFFFFFF  }
0x96: {  	s17 =	sld [smem:$0x11];
	(tm) =	ssettm $0x1  }
0x97: {  	s18 =	sld [smem:$0x3FFB];
	_ =	sdelay $0x3  }
0x98: {  	_ =	strace s18  }
0x99: {  	s4 =	sld [smem:$0x3FFC];
	_ =	sdelay $0x3  }
0x9a: {  	_ =	strace s4  }
0x9b: {  	s4 =	sld [smem:$0x3FFD];
	_ =	sdelay $0x3  }
0x9c: {  	_ =	strace s4  }
0x9d: {  	_ =	strace $0x8FFFFFFF  }
0x9e: {  	s19 =	sld [smem:$0x3FDB];
	_ =	sdelay $0x1  }
0x9f: {  	s5 =	simm.s32 $_scs_section_size  }
0xa0: {  	s6 =	simm.s32 $_size__tile_overlayer_lowered;
	s7 =	simm.s32 $_tile_overlayer_lowered  }
0xa1: {  	s22 =	simm.s32 $0x1BFF;
	s21 =	sshll.u32 s7, $0x1;
	s4 =	sadd.s32 s5, s19  }
0xa2: {  	s8 =	simm.s32 $0x0;
	s20 =	sshll.u32 s6, $0x1;
	s6 =	sadd.s32 s21, s4  }
0xa3: {  	[timem:s8], [sflag:s22] =	dma.local [hbm:s6], s20  }
0xa4: {  	_ =	swait.ge [sflag:s22], s20  }
0xa5: {  	s5 =	ssub.s32 $0x0, s20;
	[sflag:s22] =	ssyncset.done $0x0  }
0xa6: {  	[sflag:s22] =	ssyncadd.s32 s5;
	_ =	sdelay $0x1  }
0xa7: {  	s23 =	simm.s32 $0x1B8B  }
0xa8: {  	_ =	swait.ge [sflag:s23], $0x1  }
0xa9: {  	[sflag:s23] =	ssyncset.done $0x0  }
0xaa: {  	s25 =	simm.s32 $0x1B8E;
	s24 =	sld [smem:$0x3FFE];
	[sflag:s23] =	ssyncadd.s32 $0xFFFFFFFF  }
0xab: {  	s26 =	simm.s32 $execute0_lowered;
	[smem:$0x3FD2] =	sst s25  }
0xac: {  	s6 =	sshll.u32 s26, $0x1;
	_ =	strace $0x80000049;
	[dreg:$0x1] =	wrdreg $0xFFFFFFFF  }
0xad: {  	s28 =	simm.s32 $_size_execute0_lowered;
	s4 =	sadd.s32 s4, s6;
	[dreg:$0x0] =	wrdreg $0x0  }
0xae: {  	s6 =	sshll.u32 s28, $0x1;
	[dreg:$0x2] =	wrdreg s4  }
0xaf: {  	[dreg:$0x3] =	wrdreg s6  }
0xb0: {  	[dreg:$0x4] =	wrdreg $0xC0  }
0xb1: {  	_ =	task [dreg:s8], $0x5FFFF  }
0xb2: {  	[dreg:$0x1] =	wrdreg $0xFFFFFFFF  }
0xb3: {  	[dreg:$0x0] =	wrdreg $0x60  }
0xb4: {  	[dreg:$0x2] =	wrdreg s24  }
0xb5: {  	[dreg:$0x3] =	wrdreg s17  }
0xb6: {  	[dreg:$0x4] =	wrdreg s16  }
0xb7: {  	[dreg:$0x5] =	wrdreg $0x0  }
0xb8: {  	[dreg:$0x6] =	wrdreg $0x186A00  }
0xb9: {  	[dreg:$0x7] =	wrdreg $0x9  }
0xba: {  	_ =	task.clear_ibuf [dreg:s8], $0x8FFFF;
	_ =	strace $0x90000049  }
0xbb: {  	s29 =	simm.s32 $0x9;
	_ =	strace $0x8000004B  }
0xbc: {  	_ =	swait.ge [sflag:s29], $0x1  }
0xbd: {  	[sflag:s29] =	ssyncadd.s32 $0xFFFFFFFF  }
0xbe: {  	_ =	strace $0x9000004B  }
0xbf: {  	_ =	sfence  }
0xc0: {  	s30 =	sld [smem:$0x0];
	_ =	sdelay $0x2  }
0xc1: {  	s31 =	sshll.u32 s1, $0xD;
	s1 =	sshrl.u32 s1, $0x2  }
0xc2: {  	s3 =	sand.u32 $0x4000, s31;
	s1 =	sadd.s32 s1, s30  }
0xc3: {  	s0 =	sor.u32 s3, s0;
	s1 =	sshll.u32 s1, $0x11  }
0xc4: {  	s0 =	sor.u32 s1, s0  }
0xc5: {  	s0 =	sadd.s32 $0x8F2B, s0  }
0xc6: {  	[sflag:s0] =	ssyncadd.remote.s32 $0x1  }
0xc7: {  	_ =	sfence.sel $0xFFFF  }
0xc8: {  	[dreg:$0x0] =	wrdreg $0xFFFFFFFF;
	(pc) =	sbr.abs _section_cstart, $3  }
0xc9: {  	[dreg:$0x1] =	wrdreg $0xFFFFFFFF  }
0xca: {  	_ =	task.clear_ibuf [dreg:s8], $0x2FFFF;
	_ =	strace $0x9FFFFFFF  }
0xcb: {  	(tm) =	ssettm $0x7FFFFFFF  }
tec
execute0_lowered:
.L_overlay_start_1:
0x0: {  	(tag) =	ssettag $0x1  }
0x1: {  	s0 =	rddreg [dreg:$0x0]  }
0x2: {  	s3 =	rddreg [dreg:$0x3]  }
0x3: {  	s4 =	rddreg [dreg:$0x4];
	s5 =	simm.s32 $0x0;
	s1 =	srdreg.scid  }
0x4: {  	s14 =	stileid.u32;
	s28 =	simm.s32 $0x3;
	s29 =	simm.s32 $0x1E848  }
0x5: {  	s30 =	simm.s32 $0x20;
	s31 =	simm.s32 $0x80;
	[smem:$0x7FF] =	sst s5  }
0x6: {  	s2 =	sadd.s32 $0x3200, s0;
	s6 =	sadd.s32 $0x251C600, s0;
	s1 =	sand.u32 $0x1, s1  }
0x7: {  	s24 =	sadd.s32 $0x1BA00, s0;
	s25 =	sadd.s32 $0x1EC00, s0;
	s9 =	smul.u32 $0xC350, s14  }
0x8: {  	s10 =	sadd.s32 $0x2BE00, s0;
	s21 =	sadd.s32 $0x251C604, s0;
	s23 =	smul.u32 $0xC3500, s14  }
0x9: {  	s20 =	sadd.s32 $0x1FA00, s0;
	s0 =	sadd.s32 $0x251C608, s0;
	s16 =	smul.u32 $0x186A, s14  }
0xa: {  	s18 =	sshll.u32 s14, $0x6;
	_ =	strace $0x8000004A;
	[dreg:$0x6] =	wrdreg s10  }
0xb: {  	s7 =	ssub.s32 $0x2, s1;
	[dreg:$0x7] =	wrdreg s20;
	p0 =	sne.s32 s1, $0x0  }
0xc: {  	s1 =	simm.s32 $0x1F8C8;
	s8 =	sshrl.u32 s7, $0x1;
	s11 =	sadd.s32 $0xC300, s9  }
0xd: {  	s9 =	sadd.s32 $0xC340, s9;
	s17 =	sadd.s32 s23, s6;
	s19 =	sadd.s32 s16, s2  }
0xe: {  	s16 =	simm.s32 $0x1FAC8;
	s7 =	ssub.s32 s7, s8;
	s12 =	sshll.u32 s11, $0x4  }
0xf: {  	s8 =	smul.u32 $0x186A0, s14;
	s22 =	sshll.u32 s9, $0x4;
	s13 =	sadd.s32 s12, s21  }
0x10: {  	s11 =	sshrl.u32 s11, $0x3;
	s10 =	sadd.s32 s22, s21;
	[dreg:$0x8] =	wrdreg s13  }
0x11: {  	s9 =	sshrl.u32 s9, $0x3;
	s15 =	sadd.s32 s22, s0;
	[dreg:$0x9] =	wrdreg s10  }
0x12: {  	s26 =	sadd.s32 s6, s12;
	s0 =	sadd.s32 s12, s0;
	[dreg:$0xa] =	wrdreg s15  }
0x13: {  	s20 =	sadd.s32 s2, s11;
	s9 =	sadd.s32 s2, s9;
	[dreg:$0xb] =	wrdreg s26  }
0x14: {  	s21 =	smul.u32 $0x61A8, s14;
	s23 =	smax.u32 s7, $0x1;
	[dreg:$0xc] =	wrdreg s0  }
0x15: {  	s2 =	simm.s32 $0x1E888;
	s11 =	simm.s32 $0x40;
	[dreg:$0xe] =	wrdreg s20  }
0x16: {  	s12 =	simm.s32 $0x2;
	s15 =	sadd.s32 s6, s22;
	[dreg:$0xf] =	wrdreg s9  }
.Ltmp0:
0x17: {  	s26 =	sadd.s32 s8, s3;
	s22 =	sor.u32 $0x1C03, s18;
	(pc) =	sbr.rel .LBB2_1-.Ltmp0, $4  }
0x18: {  	s14 =	sshrl.u32 s8, $0x3;
	[dreg:$0x12] =	wrdreg s23;
	s6 =	simm.s32 $0x8  }
0x19: {  	s9 =	simm.s32 $0x1F0C8;
	[dreg:$0xd] =	wrdreg s15;
	s0 =	sshrl.u32 s21, $0x3  }
0x1a: {  	s10 =	simm.s32 $0x1;
	s13 =	sadd.s32 s21, s4;
	[dreg:$0x11] =	wrdreg s0  }
0x1b: {  	s15 =	simm.s32 $0x0;
	s0 =	simm.s32 $0x1E8C8;
	[dreg:$0x10] =	wrdreg s13  }
.LBB2_7:
0x1c: {  	[sflag:s12] =	ssyncadd.s32 $0xFFFFFE00;
	s18 =	rddreg [dreg:$0xe]  }
0x1d: {  	[tilespmem:s29], [sflag:$0x3] =	stream.linear.gather [hbm4b:s18+s5], $0x40, $0x38;
	[tilespmem:$0x1FF58] =	vst v63  }
0x1e: {  	_ =	swait.ge [sflag:s28], $0x40  }
0x1f: {  	[sflag:s28] =	ssyncset.done $0x0  }
0x20: {  	s21 =	rddreg [dreg:$0x8];
	[sflag:s28] =	ssyncadd.s32 $0xFFFFFFC0  }
0x21: {  	[tilespmem:s0], [sflag:$0x3] =	stream.strided.gather [hbm4b:s21+s30], $0x800, s31, s30, $0x38;
	[tilespmem:$0x1FF58] =	vst v63  }
0x22: {  	_ =	swait.ge [sflag:s28], $0x800  }
0x23: {  	[sflag:s28] =	ssyncset.done $0x0  }
0x24: {  	[sflag:s28] =	ssyncadd.s32 $0xFFFFF800  }
0x25: {  	[spmem:s3] =	stream.indirect.scatter.add.f32 [tilespmem:s0], [sflag:$0x3], $0x20, s29, s11, $0xb8;
	[tilespmem:$0x1FF58] =	vst v63  }
0x26: {  	_ =	swait.ge [sflag:s28], $0x800  }
0x27: {  	[sflag:s28] =	ssyncset.done $0x0  }
0x28: {  	s20 =	simm.s32 $0x1FCC8;
	s23 =	rddreg [dreg:$0xf];
	[sflag:s28] =	ssyncadd.s32 $0xFFFFF800  }
0x29: {  	[tilespmem:s20], [sflag:$0x3] =	stream.linear.gather [hbm4b:s23+s5], $0x10, $0x38;
	[tilespmem:$0x1FF58] =	vst v63  }
0x2a: {  	_ =	swait.ge [sflag:s28], $0x10  }
0x2b: {  	[sflag:s28] =	ssyncset.done $0x0  }
0x2c: {  	s21 =	simm.s32 $0x1FCD8;
	s24 =	rddreg [dreg:$0x9];
	[sflag:s28] =	ssyncadd.s32 $0xFFFFFFF0  }
0x2d: {  	[tilespmem:s21], [sflag:$0x3] =	stream.strided.gather [hbm4b:s24+s30], $0x200, s31, s30, $0x38;
	[tilespmem:$0x1FF58] =	vst v63  }
0x2e: {  	_ =	swait.ge [sflag:s28], $0x200  }
0x2f: {  	[sflag:s28] =	ssyncset.done $0x0  }
0x30: {  	s23 =	simm.s32 $0x10;
	[sflag:s28] =	ssyncadd.s32 $0xFFFFFE00  }
0x31: {  	[spmem:s3] =	stream.indirect.scatter.add.f32 [tilespmem:s21], [sflag:$0x3], $0x20, s20, s23, $0xb8;
	[tilespmem:$0x1FF58] =	vst v63  }
0x32: {  	_ =	swait.ge [sflag:s28], $0x200  }
0x33: {  	[sflag:s28] =	ssyncset.done $0x0  }
0x34: {  	s24 =	simm.s32 $0x1FED8;
	s21 =	rddreg [dreg:$0xa];
	[sflag:s28] =	ssyncadd.s32 $0xFFFFFE00  }
0x35: {  	[tilespmem:s24], [sflag:$0x3] =	stream.strided.gather [hbm4b:s21+s6], $0x80, s31, s6, $0x38;
	[tilespmem:$0x1FF58] =	vst v63  }
0x36: {  	_ =	swait.ge [sflag:s28], $0x80  }
0x37: {  	[sflag:s28] =	ssyncset.done $0x0  }
0x38: {  	[sflag:s28] =	ssyncadd.s32 $0xFFFFFF80  }
0x39: {  	[spmem:s4] =	stream.indirect.scatter.add.f32 [tilespmem:s24], [sflag:$0x3], $0x8, s20, s23, $0xb8;
	[tilespmem:$0x1FF58] =	vst v63  }
0x3a: {  	s24 =	smov.u32 s25;
	s25 =	smov.u32 s26;
	_ =	swait.ge [sflag:s28], $0x80  }
0x3b: {  	s26 =	smov.u32 s14;
	[sflag:s28] =	ssyncset.done $0x0;
	s18 =	rddreg [dreg:$0x7]  }
0x3c: {  	s14 =	smov.u32 s13;
	s13 =	rddreg [dreg:$0x10];
	[sflag:s28] =	ssyncadd.s32 $0xFFFFFF80  }
0x3d: {  	s20 =	rddreg [dreg:$0x2]  }
.LBB2_8:
0x3e: {  	s20 =	sadd.s32 s20, s14;
	[bflag:$0x0] =	sbarrier.arrive $0xFFFF  }
0x3f: {  	[hbm:s20], [sflag:s22] =	dma.local [spmem:s7], $0x30D4  }
0x40: {  	_ =	swait.ge [sflag:s28], $0x30D4  }
0x41: {  	[sflag:s28] =	ssyncset.done $0x0;
	s21 =	rddreg [dreg:$0x11]  }
0x42: {  	s7 =	sadd.s32 s18, s21;
	[sflag:s28] =	ssyncadd.s32 $0xFFFFCF2C  }
0x43: {  	[hbm:s7], [sflag:s22] =	dma.local [spmem:s8], $0xC35  }
0x44: {  	_ =	swait.ge [sflag:s28], $0xC35  }
0x45: {  	s15 =	sadd.s32 $0x1, s15;
	s23 =	rddreg [dreg:$0x12]  }
0x46: {  	p1 =	sne.s32 s15, s23  }
.Ltmp1:
0x47: {  	_ = 	snop;
	(pc) =	sbr.rel @!p1 .LBB2_9-.Ltmp1, $3  }
0x48: {  	_ =	sdelay $0x1  }
0x49: {  	[sflag:s28] =	ssyncset.done $0x0  }
0x4a: {  	[sflag:s28] =	ssyncadd.s32 $0xFFFFF3CB  }
.LBB2_1:
0x4b: {  	s7 =	sshrl.u32 s26, $0x3  }
0x4c: {  	[spmem:s7], [sflag:s22] =	dma.local [hbm:s24], $0x30D4  }
0x4d: {  	_ =	swait.ge [sflag:s28], $0x30D4  }
0x4e: {  	[sflag:s28] =	ssyncset.done $0x0  }
0x4f: {  	s8 =	sshrl.u32 s13, $0x3;
	[sflag:s28] =	ssyncadd.s32 $0xFFFFCF2C  }
0x50: {  	[spmem:s8], [sflag:s22] =	dma.local [hbm:s25], $0xC35  }
.Ltmp2:
0x51: {  	_ =	swait.ge [sflag:s28], $0xC35;
	(pc) =	sbr.rel @p0 .LBB2_5-.Ltmp2, $3  }
0x52: {  	[sflag:s28] =	ssyncset.done $0x0  }
0x53: {  	[sflag:s28] =	ssyncadd.s32 $0xFFFFF3CB  }
0x54: {  	[bflag:$0x0] =	sbarrier.arrive $0xFFFF;
	_ =	sdelay $0x1  }
0x55: {  	[tilespmem:s29], [sflag:$0x1] =	stream.linear.gather [hbm4b:s19+s5], $0x40, $0x38;
	[tilespmem:$0x1FF58] =	vst v63  }
0x56: {  	s18 =	sadd.s32 s5, s17  }
0x57: {  	[tilespmem:s0], [sflag:$0x1] =	stream.strided.gather [hbm4b:s18+s30], $0x800, s31, s30, $0x38;
	[tilespmem:$0x1FF58] =	vst v63  }
0x58: {  	s20 =	sadd.s32 $0x8, s18  }
0x59: {  	[tilespmem:s1], [sflag:$0x1] =	stream.strided.gather [hbm4b:s20+s6], $0x200, s31, s6, $0x38;
	[tilespmem:$0x1FF58] =	vst v63  }
0x5a: {  	s23 =	sadd.s32 $0x8, s19  }
0x5b: {  	[tilespmem:s2], [sflag:$0x2] =	stream.linear.gather [hbm4b:s23+s5], $0x40, $0x38;
	[tilespmem:$0x1FF58] =	vst v63  }
0x5c: {  	s18 =	sadd.s32 $0x400, s18  }
0x5d: {  	[tilespmem:s9], [sflag:$0x2] =	stream.strided.gather [hbm4b:s18+s30], $0x800, s31, s30, $0x38;
	[tilespmem:$0x1FF58] =	vst v63  }
0x5e: {  	_ =	swait.ge [sflag:s10], $0x40  }
0x5f: {  	[sflag:s10] =	ssyncset.done $0x0  }
0x60: {  	[sflag:s10] =	ssyncadd.s32 $0xFFFFFFC0  }
0x61: {  	_ =	swait.ge [sflag:s10], $0x800  }
0x62: {  	[sflag:s10] =	ssyncset.done $0x0  }
0x63: {  	[sflag:s10] =	ssyncadd.s32 $0xFFFFF800  }
0x64: {  	_ =	swait.ge [sflag:s10], $0x200  }
0x65: {  	[sflag:s10] =	ssyncset.done $0x0  }
0x66: {  	[sflag:s10] =	ssyncadd.s32 $0xFFFFFE00  }
0x67: {  	[spmem:s3] =	stream.indirect.scatter.add.f32 [tilespmem:s0], [sflag:$0x1], $0x20, s29, s11, $0xb8;
	[tilespmem:$0x1FF58] =	vst v63  }
0x68: {  	_ = 	snop  }
0x69: {  	[spmem:s4] =	stream.indirect.scatter.add.f32 [tilespmem:s1], [sflag:$0x1], $0x8, s29, s11, $0xb8;
	[tilespmem:$0x1FF58] =	vst v63  }
0x6a: {  	_ =	swait.ge [sflag:s12], $0x40  }
0x6b: {  	[sflag:s12] =	ssyncset.done $0x0  }
0x6c: {  	[sflag:s12] =	ssyncadd.s32 $0xFFFFFFC0  }
0x6d: {  	_ =	swait.ge [sflag:s12], $0x800  }
0x6e: {  	[sflag:s12] =	ssyncset.done $0x0  }
0x6f: {  	[sflag:s12] =	ssyncadd.s32 $0xFFFFF800  }
0x70: {  	[spmem:s3] =	stream.indirect.scatter.add.f32 [tilespmem:s9], [sflag:$0x2], $0x20, s2, s11, $0xb8;
	[tilespmem:$0x1FF58] =	vst v63  }
0x71: {  	_ =	swait.ge [sflag:s10], $0x800  }
0x72: {  	[sflag:s10] =	ssyncset.done $0x0  }
0x73: {  	[sflag:s10] =	ssyncadd.s32 $0xFFFFF800  }
0x74: {  	_ =	swait.ge [sflag:s10], $0x200  }
0x75: {  	[sflag:s10] =	ssyncset.done $0x0  }
0x76: {  	[sflag:s10] =	ssyncadd.s32 $0xFFFFFE00  }
0x77: {  	_ =	swait.ge [sflag:s12], $0x800  }
0x78: {  	s20 =	smov.u32 s19;
	s18 =	sadd.s32 $0x800, s5;
	[sflag:s12] =	ssyncset.done $0x0  }
.LBB2_3:
0x79: {  	p1 =	sne.s32 s18, $0xC2800;
	[sflag:s12] =	ssyncadd.s32 $0xFFFFF800;
	s20 =	sadd.s32 $0x10, s20  }
0x7a: {  	[tilespmem:s29], [sflag:$0x1] =	stream.linear.gather [hbm4b:s20+s5], $0x40, $0x38;
	[tilespmem:$0x1FF58] =	vst v63  }
0x7b: {  	s21 =	sadd.s32 s18, s17;
	s18 =	sadd.s32 $0x800, s18  }
0x7c: {  	[tilespmem:s0], [sflag:$0x1] =	stream.strided.gather [hbm4b:s21+s30], $0x800, s31, s30, $0x38;
	[tilespmem:$0x1FF58] =	vst v63  }
0x7d: {  	s23 =	sadd.s32 $0x8, s21  }
0x7e: {  	[tilespmem:s1], [sflag:$0x1] =	stream.strided.gather [hbm4b:s23+s6], $0x200, s31, s6, $0x38;
	[tilespmem:$0x1FF58] =	vst v63  }
0x7f: {  	s23 =	sadd.s32 $0x8, s20  }
0x80: {  	[tilespmem:s2], [sflag:$0x2] =	stream.linear.gather [hbm4b:s23+s5], $0x40, $0x38;
	[tilespmem:$0x1FF58] =	vst v63  }
0x81: {  	s21 =	sadd.s32 $0x400, s21  }
0x82: {  	[tilespmem:s9], [sflag:$0x2] =	stream.strided.gather [hbm4b:s21+s30], $0x800, s31, s30, $0x38;
	[tilespmem:$0x1FF58] =	vst v63  }
0x83: {  	_ =	swait.ge [sflag:s10], $0x40  }
0x84: {  	[sflag:s10] =	ssyncset.done $0x0  }
0x85: {  	[sflag:s10] =	ssyncadd.s32 $0xFFFFFFC0  }
0x86: {  	_ =	swait.ge [sflag:s10], $0x800  }
0x87: {  	[sflag:s10] =	ssyncset.done $0x0  }
0x88: {  	[sflag:s10] =	ssyncadd.s32 $0xFFFFF800  }
0x89: {  	_ =	swait.ge [sflag:s10], $0x200  }
0x8a: {  	[sflag:s10] =	ssyncset.done $0x0  }
0x8b: {  	[sflag:s10] =	ssyncadd.s32 $0xFFFFFE00  }
0x8c: {  	[spmem:s3] =	stream.indirect.scatter.add.f32 [tilespmem:s0], [sflag:$0x1], $0x20, s29, s11, $0xb8;
	[tilespmem:$0x1FF58] =	vst v63  }
0x8d: {  	_ = 	snop  }
0x8e: {  	[spmem:s4] =	stream.indirect.scatter.add.f32 [tilespmem:s1], [sflag:$0x1], $0x8, s29, s11, $0xb8;
	[tilespmem:$0x1FF58] =	vst v63  }
0x8f: {  	_ =	swait.ge [sflag:s12], $0x40  }
0x90: {  	[sflag:s12] =	ssyncset.done $0x0  }
0x91: {  	[sflag:s12] =	ssyncadd.s32 $0xFFFFFFC0  }
0x92: {  	_ =	swait.ge [sflag:s12], $0x800  }
0x93: {  	[sflag:s12] =	ssyncset.done $0x0  }
0x94: {  	[sflag:s12] =	ssyncadd.s32 $0xFFFFF800  }
0x95: {  	[spmem:s3] =	stream.indirect.scatter.add.f32 [tilespmem:s9], [sflag:$0x2], $0x20, s2, s11, $0xb8;
	[tilespmem:$0x1FF58] =	vst v63  }
0x96: {  	_ =	swait.ge [sflag:s10], $0x800  }
0x97: {  	[sflag:s10] =	ssyncset.done $0x0  }
0x98: {  	[sflag:s10] =	ssyncadd.s32 $0xFFFFF800  }
.Ltmp3:
0x99: {  	_ =	swait.ge [sflag:s10], $0x200;
	(pc) =	sbr.rel @p1 .LBB2_3-.Ltmp3, $4  }
0x9a: {  	[sflag:s10] =	ssyncset.done $0x0  }
0x9b: {  	[sflag:s10] =	ssyncadd.s32 $0xFFFFFE00  }
0x9c: {  	_ =	swait.ge [sflag:s12], $0x800  }
0x9d: {  	[sflag:s12] =	ssyncset.done $0x0  }
0x9e: {  	[sflag:s12] =	ssyncadd.s32 $0xFFFFF800;
	s18 =	rddreg [dreg:$0xe]  }
0x9f: {  	[tilespmem:s29], [sflag:$0x3] =	stream.linear.gather [hbm4b:s18+s5], $0x40, $0x38;
	[tilespmem:$0x1FF58] =	vst v63  }
0xa0: {  	_ =	swait.ge [sflag:s28], $0x40  }
0xa1: {  	[sflag:s28] =	ssyncset.done $0x0  }
0xa2: {  	s23 =	rddreg [dreg:$0xb];
	[sflag:s28] =	ssyncadd.s32 $0xFFFFFFC0  }
0xa3: {  	[tilespmem:s0], [sflag:$0x3] =	stream.strided.gather [hbm4b:s23+s30], $0x800, s31, s30, $0x38;
	[tilespmem:$0x1FF58] =	vst v63  }
0xa4: {  	_ =	swait.ge [sflag:s28], $0x800  }
0xa5: {  	[sflag:s28] =	ssyncset.done $0x0  }
0xa6: {  	[sflag:s28] =	ssyncadd.s32 $0xFFFFF800  }
0xa7: {  	[spmem:s3] =	stream.indirect.scatter.add.f32 [tilespmem:s0], [sflag:$0x3], $0x20, s29, s11, $0xb8;
	[tilespmem:$0x1FF58] =	vst v63  }
0xa8: {  	_ =	swait.ge [sflag:s28], $0x800  }
0xa9: {  	[sflag:s28] =	ssyncset.done $0x0  }
0xaa: {  	s20 =	rddreg [dreg:$0xc];
	[sflag:s28] =	ssyncadd.s32 $0xFFFFF800  }
0xab: {  	[tilespmem:s1], [sflag:$0x3] =	stream.strided.gather [hbm4b:s20+s6], $0x200, s31, s6, $0x38;
	[tilespmem:$0x1FF58] =	vst v63  }
0xac: {  	_ =	swait.ge [sflag:s28], $0x200  }
0xad: {  	[sflag:s28] =	ssyncset.done $0x0  }
0xae: {  	[sflag:s28] =	ssyncadd.s32 $0xFFFFFE00  }
0xaf: {  	[spmem:s4] =	stream.indirect.scatter.add.f32 [tilespmem:s1], [sflag:$0x3], $0x8, s29, s11, $0xb8;
	[tilespmem:$0x1FF58] =	vst v63  }
0xb0: {  	_ =	swait.ge [sflag:s28], $0x200  }
0xb1: {  	[sflag:s28] =	ssyncset.done $0x0  }
0xb2: {  	s20 =	simm.s32 $0x1FCC8;
	s21 =	rddreg [dreg:$0xf];
	[sflag:s28] =	ssyncadd.s32 $0xFFFFFE00  }
0xb3: {  	[tilespmem:s20], [sflag:$0x3] =	stream.linear.gather [hbm4b:s21+s5], $0x10, $0x38;
	[tilespmem:$0x1FF58] =	vst v63  }
0xb4: {  	_ =	swait.ge [sflag:s28], $0x10  }
0xb5: {  	[sflag:s28] =	ssyncset.done $0x0  }
0xb6: {  	s21 =	simm.s32 $0x1FCD8;
	s23 =	rddreg [dreg:$0xd];
	[sflag:s28] =	ssyncadd.s32 $0xFFFFFFF0  }
0xb7: {  	[tilespmem:s21], [sflag:$0x3] =	stream.strided.gather [hbm4b:s23+s30], $0x200, s31, s30, $0x38;
	[tilespmem:$0x1FF58] =	vst v63  }
0xb8: {  	_ =	swait.ge [sflag:s28], $0x200  }
0xb9: {  	[sflag:s28] =	ssyncset.done $0x0  }
0xba: {  	s23 =	simm.s32 $0x10;
	[sflag:s28] =	ssyncadd.s32 $0xFFFFFE00  }
0xbb: {  	[spmem:s3] =	stream.indirect.scatter.add.f32 [tilespmem:s21], [sflag:$0x3], $0x20, s20, s23, $0xb8;
	[tilespmem:$0x1FF58] =	vst v63  }
.Ltmp4:
0xbc: {  	_ = 	snop;
	(pc) =	sbr.rel .LBB2_8-.Ltmp4, $4  }
0xbd: {  	_ =	swait.ge [sflag:s28], $0x200  }
0xbe: {  	[sflag:s28] =	ssyncset.done $0x0  }
0xbf: {  	s18 =	rddreg [dreg:$0x6];
	[sflag:s28] =	ssyncadd.s32 $0xFFFFFE00  }
0xc0: {  	s20 =	rddreg [dreg:$0x1]  }
.LBB2_5:
0xc1: {  	s18 =	sadd.s32 $0x0, s17  }
0xc2: {  	[tilespmem:s29], [sflag:$0x1] =	stream.linear.gather [hbm4b:s19+s5], $0x40, $0x38;
	[tilespmem:$0x1FF58] =	vst v63  }
0xc3: {  	s20 =	sadd.s32 $0x4, s18  }
0xc4: {  	[tilespmem:s0], [sflag:$0x1] =	stream.strided.gather [hbm4b:s20+s30], $0x800, s31, s30, $0x38;
	[tilespmem:$0x1FF58] =	vst v63  }
0xc5: {  	s13 =	smov.u32 s14;
	s14 =	smov.u32 s26;
	s23 =	sadd.s32 $0x8, s19  }
0xc6: {  	[tilespmem:s2], [sflag:$0x2] =	stream.linear.gather [hbm4b:s23+s5], $0x40, $0x38;
	[tilespmem:$0x1FF58] =	vst v63  }
0xc7: {  	s26 =	smov.u32 s25;
	s25 =	smov.u32 s24;
	s24 =	sadd.s32 $0x404, s18  }
0xc8: {  	[tilespmem:s9], [sflag:$0x2] =	stream.strided.gather [hbm4b:s24+s30], $0x800, s31, s30, $0x38;
	[tilespmem:$0x1FF58] =	vst v63  }
0xc9: {  	s18 =	sadd.s32 $0x408, s18  }
0xca: {  	[tilespmem:s16], [sflag:$0x2] =	stream.strided.gather [hbm4b:s18+s6], $0x200, s31, s6, $0x38;
	[tilespmem:$0x1FF58] =	vst v63  }
0xcb: {  	_ =	swait.ge [sflag:s10], $0x40  }
0xcc: {  	[sflag:s10] =	ssyncset.done $0x0  }
0xcd: {  	[sflag:s10] =	ssyncadd.s32 $0xFFFFFFC0  }
0xce: {  	_ =	swait.ge [sflag:s10], $0x800  }
0xcf: {  	[sflag:s10] =	ssyncset.done $0x0  }
0xd0: {  	[sflag:s10] =	ssyncadd.s32 $0xFFFFF800  }
0xd1: {  	[spmem:s3] =	stream.indirect.scatter.add.f32 [tilespmem:s0], [sflag:$0x1], $0x20, s29, s11, $0xb8;
	[tilespmem:$0x1FF58] =	vst v63  }
0xd2: {  	_ =	swait.ge [sflag:s12], $0x40  }
0xd3: {  	[sflag:s12] =	ssyncset.done $0x0  }
0xd4: {  	[sflag:s12] =	ssyncadd.s32 $0xFFFFFFC0  }
0xd5: {  	_ =	swait.ge [sflag:s12], $0x800  }
0xd6: {  	[sflag:s12] =	ssyncset.done $0x0  }
0xd7: {  	[sflag:s12] =	ssyncadd.s32 $0xFFFFF800  }
0xd8: {  	_ =	swait.ge [sflag:s12], $0x200  }
0xd9: {  	[sflag:s12] =	ssyncset.done $0x0  }
0xda: {  	[sflag:s12] =	ssyncadd.s32 $0xFFFFFE00  }
0xdb: {  	[spmem:s3] =	stream.indirect.scatter.add.f32 [tilespmem:s9], [sflag:$0x2], $0x20, s2, s11, $0xb8;
	[tilespmem:$0x1FF58] =	vst v63  }
0xdc: {  	_ = 	snop  }
0xdd: {  	[spmem:s4] =	stream.indirect.scatter.add.f32 [tilespmem:s16], [sflag:$0x2], $0x8, s2, s11, $0xb8;
	[tilespmem:$0x1FF58] =	vst v63  }
0xde: {  	_ =	swait.ge [sflag:s10], $0x800  }
0xdf: {  	[sflag:s10] =	ssyncset.done $0x0  }
0xe0: {  	[sflag:s10] =	ssyncadd.s32 $0xFFFFF800  }
0xe1: {  	_ =	swait.ge [sflag:s12], $0x800  }
0xe2: {  	[sflag:s12] =	ssyncset.done $0x0  }
0xe3: {  	[sflag:s12] =	ssyncadd.s32 $0xFFFFF800  }
0xe4: {  	_ =	swait.ge [sflag:s12], $0x200  }
0xe5: {  	s20 =	simm.s32 $0x800;
	s18 =	sadd.s32 $0x10, s19;
	[sflag:s12] =	ssyncset.done $0x0  }
.LBB2_6:
0xe6: {  	s21 =	smov.u32 s20  }
0xe7: {  	s23 =	sadd.s32 s20, s17;
	[sflag:s12] =	ssyncadd.s32 $0xFFFFFE00;
	s21 =	sadd.s32 $0x800, s20  }
0xe8: {  	[tilespmem:s29], [sflag:$0x1] =	stream.linear.gather [hbm4b:s18+s5], $0x40, $0x38;
	[tilespmem:$0x1FF58] =	vst v63  }
0xe9: {  	p1 =	sne.s32 s20, $0xC2800;
	s24 =	sadd.s32 $0x4, s23  }
0xea: {  	[tilespmem:s0], [sflag:$0x1] =	stream.strided.gather [hbm4b:s24+s30], $0x800, s31, s30, $0x38;
	[tilespmem:$0x1FF58] =	vst v63  }
0xeb: {  	s20 =	sadd.s32 $0x8, s18  }
0xec: {  	[tilespmem:s2], [sflag:$0x2] =	stream.linear.gather [hbm4b:s20+s5], $0x40, $0x38;
	[tilespmem:$0x1FF58] =	vst v63  }
0xed: {  	s20 =	sadd.s32 $0x404, s23  }
0xee: {  	[tilespmem:s9], [sflag:$0x2] =	stream.strided.gather [hbm4b:s20+s30], $0x800, s31, s30, $0x38;
	[tilespmem:$0x1FF58] =	vst v63  }
0xef: {  	s20 =	sadd.s32 $0x408, s23  }
0xf0: {  	[tilespmem:s16], [sflag:$0x2] =	stream.strided.gather [hbm4b:s20+s6], $0x200, s31, s6, $0x38;
	[tilespmem:$0x1FF58] =	vst v63  }
0xf1: {  	_ =	swait.ge [sflag:s10], $0x40  }
0xf2: {  	[sflag:s10] =	ssyncset.done $0x0  }
0xf3: {  	[sflag:s10] =	ssyncadd.s32 $0xFFFFFFC0  }
0xf4: {  	_ =	swait.ge [sflag:s10], $0x800  }
0xf5: {  	[sflag:s10] =	ssyncset.done $0x0  }
0xf6: {  	[sflag:s10] =	ssyncadd.s32 $0xFFFFF800  }
0xf7: {  	[spmem:s3] =	stream.indirect.scatter.add.f32 [tilespmem:s0], [sflag:$0x1], $0x20, s29, s11, $0xb8;
	[tilespmem:$0x1FF58] =	vst v63  }
0xf8: {  	_ =	swait.ge [sflag:s12], $0x40  }
0xf9: {  	[sflag:s12] =	ssyncset.done $0x0  }
0xfa: {  	[sflag:s12] =	ssyncadd.s32 $0xFFFFFFC0  }
0xfb: {  	_ =	swait.ge [sflag:s12], $0x800  }
0xfc: {  	[sflag:s12] =	ssyncset.done $0x0  }
0xfd: {  	[sflag:s12] =	ssyncadd.s32 $0xFFFFF800  }
0xfe: {  	_ =	swait.ge [sflag:s12], $0x200  }
0xff: {  	[sflag:s12] =	ssyncset.done $0x0  }
0x100: {  	[sflag:s12] =	ssyncadd.s32 $0xFFFFFE00  }
0x101: {  	[spmem:s3] =	stream.indirect.scatter.add.f32 [tilespmem:s9], [sflag:$0x2], $0x20, s2, s11, $0xb8;
	[tilespmem:$0x1FF58] =	vst v63  }
0x102: {  	_ = 	snop  }
0x103: {  	[spmem:s4] =	stream.indirect.scatter.add.f32 [tilespmem:s16], [sflag:$0x2], $0x8, s2, s11, $0xb8;
	[tilespmem:$0x1FF58] =	vst v63  }
0x104: {  	_ =	swait.ge [sflag:s10], $0x800  }
0x105: {  	[sflag:s10] =	ssyncset.done $0x0  }
0x106: {  	[sflag:s10] =	ssyncadd.s32 $0xFFFFF800  }
.Ltmp5:
0x107: {  	_ =	swait.ge [sflag:s12], $0x800;
	(pc) =	sbr.rel @p1 .LBB2_6-.Ltmp5, $4  }
0x108: {  	[sflag:s12] =	ssyncset.done $0x0  }
0x109: {  	[sflag:s12] =	ssyncadd.s32 $0xFFFFF800  }
0x10a: {  	_ =	swait.ge [sflag:s12], $0x200  }
0x10b: {  	s18 =	sadd.s32 $0x10, s18;
	s20 =	smov.u32 s21;
	[sflag:s12] =	ssyncset.done $0x0  }
.Ltmp6:
0x10c: {  	_ = 	snop;
	(pc) =	sbr.rel .LBB2_7-.Ltmp6, $1  }
0x10d: {  	_ =	sdelay $0x3  }
.LBB2_9:
0x10e: {  	_ =	sfence.sel $0x180000  }
0x10f: {  	[bflag:$0x0] =	sbarrier.arrive $0xFFFF  }
0x110: {  	_ =	strace $0x9000004A  }
0x111: {  	s0 =	stileid.u32;
	[bflag:$0x2] =	sbarrier.arrive $0xFFFF  }
0x112: {  	p0 =	sne.s32 s0, $0x0;
	s0 =	rddreg [dreg:$0x5]  }
0x113: {  	s0 =	sadd.s32 @!p0 $0x100000, s0  }
0x114: {  	[sflag:s0] =	ssyncadd.tile.s32 @!p0 $0x1;
	_ =	shalt  }
.Lfunc_end2:
_tile_overlayer_lowered:
.L_overlay_start_2:
0x115: {  	(tag) =	ssettag $0x2  }
0x116: {  	s0 =	rddreg [dreg:$0x0];
	s2 =	stileid.u32  }
0x117: {  	s1 =	rddreg [dreg:$0x1];
	p0 =	sne.s32 s2, $0x0  }
0x118: {  	s3 =	rddreg [dreg:$0x2];
	[bflag:$0x3] =	sbarrier.arrive $0xFFFF;
	s2 =	simm.s32 @!p0 $0x1C03  }
0x119: {  	[timem:s3], [sflag:s2] =	dma.local @!p0 [hbm:s0], s1  }
0x11a: {  	s0 =	simm.s32 @!p0 $0x3  }
0x11b: {  	_ =	swait.ge @!p0 [sflag:s0], s1  }
0x11c: {  	s1 =	ssub.s32 @!p0 $0x0, s1;
	[sflag:s0] =	ssyncset.done @!p0 $0x0  }
0x11d: {  	[sflag:s0] =	ssyncadd.s32 @!p0 s1  }
0x11e: {  	[bflag:$0x3] =	sbarrier.arrive $0xFFFF  }
0x11f: {  	_ =	shalt  }

</sc_bundles>
